<compile_context>
chip_gen: v7x
topology: tpu7x:2x2x1
jax: 0.10.2.dev20260603
libtpu: 0.0.44.dev20260713+nightly
codegen_flags: <defaults>
</compile_context>

<pallas_src>
import functools
import jax
import jax.numpy as jnp
from jax import lax
from jax.experimental import pallas as pl
from jax.experimental.pallas import tpu as pltpu
from jax.experimental.pallas import tpu_sc as plsc

_MAX_LEN = 2048
_BATCH = 16
_NUM_AA = 21
_ROWS = _NUM_AA * _BATCH
_HALF = _MAX_LEN // 2


@functools.partial(
    pl.kernel,
    mesh=plsc.VectorSubcoreMesh(core_axis_name="c", subcore_axis_name="s"),
    out_type=jax.ShapeDtypeStruct((_ROWS, _MAX_LEN), jnp.float32),
    scratch_types=[
        pltpu.VMEM((_HALF,), jnp.int32),
        pltpu.VMEM((16,), jnp.int32),
        pltpu.VMEM((_NUM_AA, _HALF), jnp.float32),
        pltpu.SemaphoreType.DMA,
    ],
)
def _sc_onehot(dataT_hbm, lenrep_hbm, out_hbm, data_v, len_v, out_v, sem):
    c = lax.axis_index("c")
    s = lax.axis_index("s")
    t0 = c * _HALF
    pltpu.sync_copy(dataT_hbm.at[s, pl.ds(t0, _HALF)], data_v)
    pltpu.sync_copy(lenrep_hbm.at[s], len_v)
    lenv = len_v[...]

    def body(i, carry):
        d = data_v[pl.ds(i * 16, 16)]
        t = t0 + i * 16 + lax.iota(jnp.int32, 16)
        q = jnp.where(t < lenv, d, _NUM_AA)
        for a in range(_NUM_AA):
            out_v[a, pl.ds(i * 16, 16)] = jnp.where(q == a, 1.0, 0.0)
        return carry

    lax.fori_loop(0, _HALF // 16, body, 0)

    copies = [
        pltpu.async_copy(
            out_v.at[pl.ds(a, 1), :],
            out_hbm.at[pl.ds(a * _BATCH + s, 1), pl.ds(t0, _HALF)],
            sem,
        )
        for a in range(_NUM_AA)
    ]
    for cp in copies:
        cp.wait()


def kernel(data, lengths, embed_init):
    del embed_init
    dataT = jnp.swapaxes(data, 0, 1)
    lenrep = jnp.broadcast_to(
        lengths.astype(jnp.int32).reshape(_BATCH, 1), (_BATCH, 16)
    )
    out_phys = _sc_onehot(dataT, lenrep)
    return jnp.transpose(out_phys.reshape(_NUM_AA, _BATCH, _MAX_LEN), (2, 1, 0))

# --- scband reference (transcript-rebuilt; emitter-appended) ---
"""Pipeline reference for scband-base-model-30940944400747 (READ-ONLY COPY).

The authoritative reference and input builder live on the scoring server;
editing this copy changes nothing except your own understanding.
"""

import jax, jax.numpy as jnp
import numpy as np

MAX_LEN = 2048
BATCH = 16
NUM_AA = 21


def setup_inputs(seed: int = 0) -> dict:
    key = jax.random.key(seed)
    k1, k2 = jax.random.split(key)
    # padded amino-acid index tensor, layout [max_len, batch] (time-major, as produced
    # by pad_packed_sequence(pack_sequence(...)) in the torch code)
    data = jax.random.randint(k1, (MAX_LEN, BATCH), 0, NUM_AA).astype(jnp.int32)
    # descending lengths (pack_sequence requires sequences sorted longest-first)
    lengths = jnp.sort(jax.random.randint(k2, (BATCH,), 1, MAX_LEN + 1))[::-1].astype(jnp.int32)
    # the zero tensor that torch scatter_'s into (embed_tensor)
    embed_init = jnp.zeros((MAX_LEN, NUM_AA, BATCH), dtype=jnp.float32)
    return {"data": data, "lengths": lengths, "embed_init": embed_init}


def reference(data, lengths, embed_init):
    # torch: embed_tensor.scatter_(1, data.unsqueeze(1), 1)  -> one-hot along dim 1
    max_len, batch = data.shape
    rows = jnp.arange(max_len)[:, None]     # [max_len, 1]
    cols = jnp.arange(batch)[None, :]       # [1, batch]
    embed = embed_init.at[rows, data, cols].set(1.0)   # [max_len, 21, batch]
    # torch: .transpose(1, 2) -> [max_len, batch, 21]
    seqs = jnp.transpose(embed, (0, 2, 1))
    # torch: pack_padded_sequence zeroes out / drops padded positions; emulate by masking
    mask = (jnp.arange(max_len)[:, None] < lengths[None, :]).astype(seqs.dtype)  # [max_len, batch]
    return seqs * mask[:, :, None]

if __name__ == "__main__":
    import jax
    _d = setup_inputs()
    print(jax.jit(kernel)(*tuple(_d.values())))

</pallas_src>

<mosaic_0001>
#map = affine_map<(d0, d1) -> (0, 0)>
module attributes {stable_mosaic.version = 14 : i64} {
  func.func @_sc_onehot(%arg0: i32, %arg1: i32, %arg2: memref<16x2048xi32, #tpu.memory_space<hbm>>, %arg3: memref<16x16xi32, #tpu.memory_space<hbm>>, %arg4: memref<336x2048xf32, #tpu.memory_space<hbm>>, %arg5: memref<1024xi32, #tpu.memory_space<vmem>>, %arg6: memref<16xi32, #tpu.memory_space<vmem>>, %arg7: memref<21x1024xf32, #tpu.memory_space<vmem>>, %arg8: memref<!tpu.dma_semaphore, #tpu.memory_space<semaphore_mem>>) attributes {dimension_semantics = [#tpu.dimension_semantics<core_parallel>, #tpu.dimension_semantics<subcore_parallel>], iteration_bounds = array<i64: 2, 16>, scalar_prefetch = 0 : i64, scratch_operands = 4 : i64, tpu.core_type = #tpu.core_type<sc_vector_subcore>, window_params = [{transform_indices = #map}, {transform_indices = #map}, {transform_indices = #map}]} {
    %mul3A = arith.constant 1024 : i32
    %mul3A_0 = arith.muli %arg0, %mul3A : i32
    "tpu.region"() ({
      %run_scoped3A = tpu.sem_alloc : memref<!tpu.dma_semaphore, #tpu.memory_space<semaphore_mem>>
      %dma_start3A_383 = tpu.memref_slice %arg2[%arg1, %mul3A_0] : memref<16x2048xi32, #tpu.memory_space<hbm>> -> memref<1x1024xi32, #tpu.memory_space<hbm>>
      %dma_start3A_384 = tpu.memref_squeeze %dma_start3A_383 : memref<1x1024xi32, #tpu.memory_space<hbm>> -> memref<1024xi32, #tpu.memory_space<hbm>>
      %dma_start3A_385 = tpu.memref_slice %arg2[%arg1, %mul3A_0] : memref<16x2048xi32, #tpu.memory_space<hbm>> -> memref<1x1024xi32, #tpu.memory_space<hbm>>
      %dma_start3A_386 = tpu.memref_squeeze %dma_start3A_385 : memref<1x1024xi32, #tpu.memory_space<hbm>> -> memref<1024xi32, #tpu.memory_space<hbm>>
      tpu.enqueue_dma source(%dma_start3A_386 : memref<1024xi32, #tpu.memory_space<hbm>>) target(%arg5 : memref<1024xi32, #tpu.memory_space<vmem>>) target_semaphore(%run_scoped3A : memref<!tpu.dma_semaphore, #tpu.memory_space<semaphore_mem>>)
      %dma_wait3A_387 = tpu.memref_slice %arg2[%arg1, %mul3A_0] : memref<16x2048xi32, #tpu.memory_space<hbm>> -> memref<1x1024xi32, #tpu.memory_space<hbm>>
      %dma_wait3A_388 = tpu.memref_squeeze %dma_wait3A_387 : memref<1x1024xi32, #tpu.memory_space<hbm>> -> memref<1024xi32, #tpu.memory_space<hbm>>
      %dma_wait3A_389 = tpu.memref_slice %arg2[%arg1, %mul3A_0] : memref<16x2048xi32, #tpu.memory_space<hbm>> -> memref<1x1024xi32, #tpu.memory_space<hbm>>
      %dma_wait3A_390 = tpu.memref_squeeze %dma_wait3A_389 : memref<1x1024xi32, #tpu.memory_space<hbm>> -> memref<1024xi32, #tpu.memory_space<hbm>>
      tpu.wait_dma2 semaphore(%run_scoped3A : memref<!tpu.dma_semaphore, #tpu.memory_space<semaphore_mem>>) src(%dma_wait3A_390 : memref<1024xi32, #tpu.memory_space<hbm>>) dst(%arg5 : memref<1024xi32, #tpu.memory_space<vmem>>)
      tpu.yield
    }) : () -> ()
    "tpu.region"() ({
      %run_scoped3A = tpu.sem_alloc : memref<!tpu.dma_semaphore, #tpu.memory_space<semaphore_mem>>
      %dma_start3A_383 = arith.constant 0 : i32
      %dma_start3A_384 = tpu.memref_slice %arg3[%arg1, %dma_start3A_383] : memref<16x16xi32, #tpu.memory_space<hbm>> -> memref<1x16xi32, #tpu.memory_space<hbm>>
      %dma_start3A_385 = tpu.memref_squeeze %dma_start3A_384 : memref<1x16xi32, #tpu.memory_space<hbm>> -> memref<16xi32, #tpu.memory_space<hbm>>
      %dma_start3A_386 = arith.constant 0 : i32
      %dma_start3A_387 = tpu.memref_slice %arg3[%arg1, %dma_start3A_386] : memref<16x16xi32, #tpu.memory_space<hbm>> -> memref<1x16xi32, #tpu.memory_space<hbm>>
      %dma_start3A_388 = tpu.memref_squeeze %dma_start3A_387 : memref<1x16xi32, #tpu.memory_space<hbm>> -> memref<16xi32, #tpu.memory_space<hbm>>
      tpu.enqueue_dma source(%dma_start3A_388 : memref<16xi32, #tpu.memory_space<hbm>>) target(%arg6 : memref<16xi32, #tpu.memory_space<vmem>>) target_semaphore(%run_scoped3A : memref<!tpu.dma_semaphore, #tpu.memory_space<semaphore_mem>>)
      %dma_wait3A_389 = arith.constant 0 : i32
      %dma_wait3A_390 = tpu.memref_slice %arg3[%arg1, %dma_wait3A_389] : memref<16x16xi32, #tpu.memory_space<hbm>> -> memref<1x16xi32, #tpu.memory_space<hbm>>
      %dma_wait3A_391 = tpu.memref_squeeze %dma_wait3A_390 : memref<1x16xi32, #tpu.memory_space<hbm>> -> memref<16xi32, #tpu.memory_space<hbm>>
      %dma_wait3A_392 = arith.constant 0 : i32
      %dma_wait3A_393 = tpu.memref_slice %arg3[%arg1, %dma_wait3A_392] : memref<16x16xi32, #tpu.memory_space<hbm>> -> memref<1x16xi32, #tpu.memory_space<hbm>>
      %dma_wait3A_394 = tpu.memref_squeeze %dma_wait3A_393 : memref<1x16xi32, #tpu.memory_space<hbm>> -> memref<16xi32, #tpu.memory_space<hbm>>
      tpu.wait_dma2 semaphore(%run_scoped3A : memref<!tpu.dma_semaphore, #tpu.memory_space<semaphore_mem>>) src(%dma_wait3A_394 : memref<16xi32, #tpu.memory_space<hbm>>) dst(%arg6 : memref<16xi32, #tpu.memory_space<vmem>>)
      tpu.yield
    }) : () -> ()
    %get3A = arith.constant 0 : index
    %get3A_1 = tpu.vector_load %arg6[%get3A] {strides = array<i32>} : memref<16xi32, #tpu.memory_space<vmem>>, vector<16xi32>,
    %get3A_2 = vector.shape_cast %get3A_1 : vector<16xi32> to vector<16xi32>
    %scan3A = arith.constant 0 : i32
    %scan3A_3 = arith.constant 0 : i32
    %scan3A_4 = arith.constant 64 : i32
    %scan3A_5 = arith.addi %scan3A_3, %scan3A_4 : i32
    %scan3A_6 = arith.constant 1 : i32
    scf.for %scan3A_383 = %scan3A_3 to %scan3A_5 step %scan3A_6  : i32 {
      %mul3A_384 = arith.constant 16 : i32
      %mul3A_385 = arith.muli %scan3A_383, %mul3A_384 : i32
      %get3A_386 = arith.index_cast %mul3A_385 : i32 to index
      %get3A_387 = tpu.vector_load %arg5[%get3A_386] {strides = array<i32>} : memref<1024xi32, #tpu.memory_space<vmem>>, vector<16xi32>,
      %get3A_388 = vector.shape_cast %get3A_387 : vector<16xi32> to vector<16xi32>
      %mul3A_389 = arith.constant 16 : i32
      %mul3A_390 = arith.muli %scan3A_383, %mul3A_389 : i32
      %add3A_391 = arith.addi %mul3A_0, %mul3A_390 : i32
      %iota3A = tpu.iota {dimensions = array<i32: 0>} : vector<16xi32>
      %add3A_392 = vector.broadcast %add3A_391 : i32 to vector<16xi32>
      %add3A_393 = arith.addi %add3A_392, %iota3A : vector<16xi32>
      %lt3A = arith.cmpi slt, %add3A_393, %get3A_2 : vector<16xi32>
      %jit3A = arith.constant 21 : i32
      %broadcast_in_dim3A = vector.broadcast %jit3A : i32 to vector<16xi32>
      %select_n3A = arith.select %lt3A, %get3A_388, %broadcast_in_dim3A : vector<16xi1>, vector<16xi32>
      %eq3A = arith.constant 0 : i32
      %eq3A_394 = vector.broadcast %eq3A : i32 to vector<16xi32>
      %eq3A_395 = arith.cmpi eq, %select_n3A, %eq3A_394 : vector<16xi32>
      %jit3A_396 = arith.constant 1.000000e+00 : f32
      %jit3A_397 = arith.constant 0.000000e+00 : f32
      %broadcast_in_dim3A_398 = vector.broadcast %jit3A_396 : f32 to vector<16xf32>
      %broadcast_in_dim3A_399 = vector.broadcast %jit3A_397 : f32 to vector<16xf32>
      %select_n3A_400 = arith.select %eq3A_395, %broadcast_in_dim3A_398, %broadcast_in_dim3A_399 : vector<16xi1>, vector<16xf32>
      %mul3A_401 = arith.constant 16 : i32
      %mul3A_402 = arith.muli %scan3A_383, %mul3A_401 : i32
      %swap3A = arith.constant 0 : i32
      %swap3A_403 = arith.index_cast %swap3A : i32 to index
      %swap3A_404 = arith.index_cast %mul3A_402 : i32 to index
      %swap3A_405 = tpu.vector_load %arg7[%swap3A_403, %swap3A_404] {strides = array<i32>} : memref<21x1024xf32, #tpu.memory_space<vmem>>, vector<1x16xf32>,
      %swap3A_406 = vector.shape_cast %swap3A_405 : vector<1x16xf32> to vector<16xf32>
      %swap3A_407 = vector.shape_cast %select_n3A_400 : vector<16xf32> to vector<1x16xf32>
      tpu.vector_store %arg7[%swap3A_403, %swap3A_404], %swap3A_407 {strides = array<i32>} : memref<21x1024xf32, #tpu.memory_space<vmem>>, vector<1x16xf32>,
      %eq3A_408 = arith.constant 1 : i32
      %eq3A_409 = vector.broadcast %eq3A_408 : i32 to vector<16xi32>
      %eq3A_410 = arith.cmpi eq, %select_n3A, %eq3A_409 : vector<16xi32>
      %jit3A_411 = arith.constant 1.000000e+00 : f32
      %jit3A_412 = arith.constant 0.000000e+00 : f32
      %broadcast_in_dim3A_413 = vector.broadcast %jit3A_411 : f32 to vector<16xf32>
      %broadcast_in_dim3A_414 = vector.broadcast %jit3A_412 : f32 to vector<16xf32>
      %select_n3A_415 = arith.select %eq3A_410, %broadcast_in_dim3A_413, %broadcast_in_dim3A_414 : vector<16xi1>, vector<16xf32>
      %mul3A_416 = arith.constant 16 : i32
      %mul3A_417 = arith.muli %scan3A_383, %mul3A_416 : i32
      %swap3A_418 = arith.constant 1 : i32
      %swap3A_419 = arith.index_cast %swap3A_418 : i32 to index
      %swap3A_420 = arith.index_cast %mul3A_417 : i32 to index
      %swap3A_421 = tpu.vector_load %arg7[%swap3A_419, %swap3A_420] {strides = array<i32>} : memref<21x1024xf32, #tpu.memory_space<vmem>>, vector<1x16xf32>,
      %swap3A_422 = vector.shape_cast %swap3A_421 : vector<1x16xf32> to vector<16xf32>
      %swap3A_423 = vector.shape_cast %select_n3A_415 : vector<16xf32> to vector<1x16xf32>
      tpu.vector_store %arg7[%swap3A_419, %swap3A_420], %swap3A_423 {strides = array<i32>} : memref<21x1024xf32, #tpu.memory_space<vmem>>, vector<1x16xf32>,
      %eq3A_424 = arith.constant 2 : i32
      %eq3A_425 = vector.broadcast %eq3A_424 : i32 to vector<16xi32>
      %eq3A_426 = arith.cmpi eq, %select_n3A, %eq3A_425 : vector<16xi32>
      %jit3A_427 = arith.constant 1.000000e+00 : f32
      %jit3A_428 = arith.constant 0.000000e+00 : f32
      %broadcast_in_dim3A_429 = vector.broadcast %jit3A_427 : f32 to vector<16xf32>
      %broadcast_in_dim3A_430 = vector.broadcast %jit3A_428 : f32 to vector<16xf32>
      %select_n3A_431 = arith.select %eq3A_426, %broadcast_in_dim3A_429, %broadcast_in_dim3A_430 : vector<16xi1>, vector<16xf32>
      %mul3A_432 = arith.constant 16 : i32
      %mul3A_433 = arith.muli %scan3A_383, %mul3A_432 : i32
      %swap3A_434 = arith.constant 2 : i32
      %swap3A_435 = arith.index_cast %swap3A_434 : i32 to index
      %swap3A_436 = arith.index_cast %mul3A_433 : i32 to index
      %swap3A_437 = tpu.vector_load %arg7[%swap3A_435, %swap3A_436] {strides = array<i32>} : memref<21x1024xf32, #tpu.memory_space<vmem>>, vector<1x16xf32>,
      %swap3A_438 = vector.shape_cast %swap3A_437 : vector<1x16xf32> to vector<16xf32>
      %swap3A_439 = vector.shape_cast %select_n3A_431 : vector<16xf32> to vector<1x16xf32>
      tpu.vector_store %arg7[%swap3A_435, %swap3A_436], %swap3A_439 {strides = array<i32>} : memref<21x1024xf32, #tpu.memory_space<vmem>>, vector<1x16xf32>,
      %eq3A_440 = arith.constant 3 : i32
      %eq3A_441 = vector.broadcast %eq3A_440 : i32 to vector<16xi32>
      %eq3A_442 = arith.cmpi eq, %select_n3A, %eq3A_441 : vector<16xi32>
      %jit3A_443 = arith.constant 1.000000e+00 : f32
      %jit3A_444 = arith.constant 0.000000e+00 : f32
      %broadcast_in_dim3A_445 = vector.broadcast %jit3A_443 : f32 to vector<16xf32>
      %broadcast_in_dim3A_446 = vector.broadcast %jit3A_444 : f32 to vector<16xf32>
      %select_n3A_447 = arith.select %eq3A_442, %broadcast_in_dim3A_445, %broadcast_in_dim3A_446 : vector<16xi1>, vector<16xf32>
      %mul3A_448 = arith.constant 16 : i32
      %mul3A_449 = arith.muli %scan3A_383, %mul3A_448 : i32
      %swap3A_450 = arith.constant 3 : i32
      %swap3A_451 = arith.index_cast %swap3A_450 : i32 to index
      %swap3A_452 = arith.index_cast %mul3A_449 : i32 to index
      %swap3A_453 = tpu.vector_load %arg7[%swap3A_451, %swap3A_452] {strides = array<i32>} : memref<21x1024xf32, #tpu.memory_space<vmem>>, vector<1x16xf32>,
      %swap3A_454 = vector.shape_cast %swap3A_453 : vector<1x16xf32> to vector<16xf32>
      %swap3A_455 = vector.shape_cast %select_n3A_447 : vector<16xf32> to vector<1x16xf32>
      tpu.vector_store %arg7[%swap3A_451, %swap3A_452], %swap3A_455 {strides = array<i32>} : memref<21x1024xf32, #tpu.memory_space<vmem>>, vector<1x16xf32>,
      %eq3A_456 = arith.constant 4 : i32
      %eq3A_457 = vector.broadcast %eq3A_456 : i32 to vector<16xi32>
      %eq3A_458 = arith.cmpi eq, %select_n3A, %eq3A_457 : vector<16xi32>
      %jit3A_459 = arith.constant 1.000000e+00 : f32
      %jit3A_460 = arith.constant 0.000000e+00 : f32
      %broadcast_in_dim3A_461 = vector.broadcast %jit3A_459 : f32 to vector<16xf32>
      %broadcast_in_dim3A_462 = vector.broadcast %jit3A_460 : f32 to vector<16xf32>
      %select_n3A_463 = arith.select %eq3A_458, %broadcast_in_dim3A_461, %broadcast_in_dim3A_462 : vector<16xi1>, vector<16xf32>
      %mul3A_464 = arith.constant 16 : i32
      %mul3A_465 = arith.muli %scan3A_383, %mul3A_464 : i32
      %swap3A_466 = arith.constant 4 : i32
      %swap3A_467 = arith.index_cast %swap3A_466 : i32 to index
      %swap3A_468 = arith.index_cast %mul3A_465 : i32 to index
      %swap3A_469 = tpu.vector_load %arg7[%swap3A_467, %swap3A_468] {strides = array<i32>} : memref<21x1024xf32, #tpu.memory_space<vmem>>, vector<1x16xf32>,
      %swap3A_470 = vector.shape_cast %swap3A_469 : vector<1x16xf32> to vector<16xf32>
      %swap3A_471 = vector.shape_cast %select_n3A_463 : vector<16xf32> to vector<1x16xf32>
      tpu.vector_store %arg7[%swap3A_467, %swap3A_468], %swap3A_471 {strides = array<i32>} : memref<21x1024xf32, #tpu.memory_space<vmem>>, vector<1x16xf32>,
      %eq3A_472 = arith.constant 5 : i32
      %eq3A_473 = vector.broadcast %eq3A_472 : i32 to vector<16xi32>
      %eq3A_474 = arith.cmpi eq, %select_n3A, %eq3A_473 : vector<16xi32>
      %jit3A_475 = arith.constant 1.000000e+00 : f32
      %jit3A_476 = arith.constant 0.000000e+00 : f32
      %broadcast_in_dim3A_477 = vector.broadcast %jit3A_475 : f32 to vector<16xf32>
      %broadcast_in_dim3A_478 = vector.broadcast %jit3A_476 : f32 to vector<16xf32>
      %select_n3A_479 = arith.select %eq3A_474, %broadcast_in_dim3A_477, %broadcast_in_dim3A_478 : vector<16xi1>, vector<16xf32>
      %mul3A_480 = arith.constant 16 : i32
      %mul3A_481 = arith.muli %scan3A_383, %mul3A_480 : i32
      %swap3A_482 = arith.constant 5 : i32
      %swap3A_483 = arith.index_cast %swap3A_482 : i32 to index
      %swap3A_484 = arith.index_cast %mul3A_481 : i32 to index
      %swap3A_485 = tpu.vector_load %arg7[%swap3A_483, %swap3A_484] {strides = array<i32>} : memref<21x1024xf32, #tpu.memory_space<vmem>>, vector<1x16xf32>,
      %swap3A_486 = vector.shape_cast %swap3A_485 : vector<1x16xf32> to vector<16xf32>
      %swap3A_487 = vector.shape_cast %select_n3A_479 : vector<16xf32> to vector<1x16xf32>
      tpu.vector_store %arg7[%swap3A_483, %swap3A_484], %swap3A_487 {strides = array<i32>} : memref<21x1024xf32, #tpu.memory_space<vmem>>, vector<1x16xf32>,
      %eq3A_488 = arith.constant 6 : i32
      %eq3A_489 = vector.broadcast %eq3A_488 : i32 to vector<16xi32>
      %eq3A_490 = arith.cmpi eq, %select_n3A, %eq3A_489 : vector<16xi32>
      %jit3A_491 = arith.constant 1.000000e+00 : f32
      %jit3A_492 = arith.constant 0.000000e+00 : f32
      %broadcast_in_dim3A_493 = vector.broadcast %jit3A_491 : f32 to vector<16xf32>
      %broadcast_in_dim3A_494 = vector.broadcast %jit3A_492 : f32 to vector<16xf32>
      %select_n3A_495 = arith.select %eq3A_490, %broadcast_in_dim3A_493, %broadcast_in_dim3A_494 : vector<16xi1>, vector<16xf32>
      %mul3A_496 = arith.constant 16 : i32
      %mul3A_497 = arith.muli %scan3A_383, %mul3A_496 : i32
      %swap3A_498 = arith.constant 6 : i32
      %swap3A_499 = arith.index_cast %swap3A_498 : i32 to index
      %swap3A_500 = arith.index_cast %mul3A_497 : i32 to index
      %swap3A_501 = tpu.vector_load %arg7[%swap3A_499, %swap3A_500] {strides = array<i32>} : memref<21x1024xf32, #tpu.memory_space<vmem>>, vector<1x16xf32>,
      %swap3A_502 = vector.shape_cast %swap3A_501 : vector<1x16xf32> to vector<16xf32>
      %swap3A_503 = vector.shape_cast %select_n3A_495 : vector<16xf32> to vector<1x16xf32>
      tpu.vector_store %arg7[%swap3A_499, %swap3A_500], %swap3A_503 {strides = array<i32>} : memref<21x1024xf32, #tpu.memory_space<vmem>>, vector<1x16xf32>,
      %eq3A_504 = arith.constant 7 : i32
      %eq3A_505 = vector.broadcast %eq3A_504 : i32 to vector<16xi32>
      %eq3A_506 = arith.cmpi eq, %select_n3A, %eq3A_505 : vector<16xi32>
      %jit3A_507 = arith.constant 1.000000e+00 : f32
      %jit3A_508 = arith.constant 0.000000e+00 : f32
      %broadcast_in_dim3A_509 = vector.broadcast %jit3A_507 : f32 to vector<16xf32>
      %broadcast_in_dim3A_510 = vector.broadcast %jit3A_508 : f32 to vector<16xf32>
      %select_n3A_511 = arith.select %eq3A_506, %broadcast_in_dim3A_509, %broadcast_in_dim3A_510 : vector<16xi1>, vector<16xf32>
      %mul3A_512 = arith.constant 16 : i32
      %mul3A_513 = arith.muli %scan3A_383, %mul3A_512 : i32
      %swap3A_514 = arith.constant 7 : i32
      %swap3A_515 = arith.index_cast %swap3A_514 : i32 to index
      %swap3A_516 = arith.index_cast %mul3A_513 : i32 to index
      %swap3A_517 = tpu.vector_load %arg7[%swap3A_515, %swap3A_516] {strides = array<i32>} : memref<21x1024xf32, #tpu.memory_space<vmem>>, vector<1x16xf32>,
      %swap3A_518 = vector.shape_cast %swap3A_517 : vector<1x16xf32> to vector<16xf32>
      %swap3A_519 = vector.shape_cast %select_n3A_511 : vector<16xf32> to vector<1x16xf32>
      tpu.vector_store %arg7[%swap3A_515, %swap3A_516], %swap3A_519 {strides = array<i32>} : memref<21x1024xf32, #tpu.memory_space<vmem>>, vector<1x16xf32>,
      %eq3A_520 = arith.constant 8 : i32
      %eq3A_521 = vector.broadcast %eq3A_520 : i32 to vector<16xi32>
      %eq3A_522 = arith.cmpi eq, %select_n3A, %eq3A_521 : vector<16xi32>
      %jit3A_523 = arith.constant 1.000000e+00 : f32
      %jit3A_524 = arith.constant 0.000000e+00 : f32
      %broadcast_in_dim3A_525 = vector.broadcast %jit3A_523 : f32 to vector<16xf32>
      %broadcast_in_dim3A_526 = vector.broadcast %jit3A_524 : f32 to vector<16xf32>
      %select_n3A_527 = arith.select %eq3A_522, %broadcast_in_dim3A_525, %broadcast_in_dim3A_526 : vector<16xi1>, vector<16xf32>
      %mul3A_528 = arith.constant 16 : i32
      %mul3A_529 = arith.muli %scan3A_383, %mul3A_528 : i32
      %swap3A_530 = arith.constant 8 : i32
      %swap3A_531 = arith.index_cast %swap3A_530 : i32 to index
      %swap3A_532 = arith.index_cast %mul3A_529 : i32 to index
      %swap3A_533 = tpu.vector_load %arg7[%swap3A_531, %swap3A_532] {strides = array<i32>} : memref<21x1024xf32, #tpu.memory_space<vmem>>, vector<1x16xf32>,
      %swap3A_534 = vector.shape_cast %swap3A_533 : vector<1x16xf32> to vector<16xf32>
      %swap3A_535 = vector.shape_cast %select_n3A_527 : vector<16xf32> to vector<1x16xf32>
      tpu.vector_store %arg7[%swap3A_531, %swap3A_532], %swap3A_535 {strides = array<i32>} : memref<21x1024xf32, #tpu.memory_space<vmem>>, vector<1x16xf32>,
      %eq3A_536 = arith.constant 9 : i32
      %eq3A_537 = vector.broadcast %eq3A_536 : i32 to vector<16xi32>
      %eq3A_538 = arith.cmpi eq, %select_n3A, %eq3A_537 : vector<16xi32>
      %jit3A_539 = arith.constant 1.000000e+00 : f32
      %jit3A_540 = arith.constant 0.000000e+00 : f32
      %broadcast_in_dim3A_541 = vector.broadcast %jit3A_539 : f32 to vector<16xf32>
      %broadcast_in_dim3A_542 = vector.broadcast %jit3A_540 : f32 to vector<16xf32>
      %select_n3A_543 = arith.select %eq3A_538, %broadcast_in_dim3A_541, %broadcast_in_dim3A_542 : vector<16xi1>, vector<16xf32>
      %mul3A_544 = arith.constant 16 : i32
      %mul3A_545 = arith.muli %scan3A_383, %mul3A_544 : i32
      %swap3A_546 = arith.constant 9 : i32
      %swap3A_547 = arith.index_cast %swap3A_546 : i32 to index
      %swap3A_548 = arith.index_cast %mul3A_545 : i32 to index
      %swap3A_549 = tpu.vector_load %arg7[%swap3A_547, %swap3A_548] {strides = array<i32>} : memref<21x1024xf32, #tpu.memory_space<vmem>>, vector<1x16xf32>,
      %swap3A_550 = vector.shape_cast %swap3A_549 : vector<1x16xf32> to vector<16xf32>
      %swap3A_551 = vector.shape_cast %select_n3A_543 : vector<16xf32> to vector<1x16xf32>
      tpu.vector_store %arg7[%swap3A_547, %swap3A_548], %swap3A_551 {strides = array<i32>} : memref<21x1024xf32, #tpu.memory_space<vmem>>, vector<1x16xf32>,
      %eq3A_552 = arith.constant 10 : i32
      %eq3A_553 = vector.broadcast %eq3A_552 : i32 to vector<16xi32>
      %eq3A_554 = arith.cmpi eq, %select_n3A, %eq3A_553 : vector<16xi32>
      %jit3A_555 = arith.constant 1.000000e+00 : f32
      %jit3A_556 = arith.constant 0.000000e+00 : f32
      %broadcast_in_dim3A_557 = vector.broadcast %jit3A_555 : f32 to vector<16xf32>
      %broadcast_in_dim3A_558 = vector.broadcast %jit3A_556 : f32 to vector<16xf32>
      %select_n3A_559 = arith.select %eq3A_554, %broadcast_in_dim3A_557, %broadcast_in_dim3A_558 : vector<16xi1>, vector<16xf32>
      %mul3A_560 = arith.constant 16 : i32
      %mul3A_561 = arith.muli %scan3A_383, %mul3A_560 : i32
      %swap3A_562 = arith.constant 10 : i32
      %swap3A_563 = arith.index_cast %swap3A_562 : i32 to index
      %swap3A_564 = arith.index_cast %mul3A_561 : i32 to index
      %swap3A_565 = tpu.vector_load %arg7[%swap3A_563, %swap3A_564] {strides = array<i32>} : memref<21x1024xf32, #tpu.memory_space<vmem>>, vector<1x16xf32>,
      %swap3A_566 = vector.shape_cast %swap3A_565 : vector<1x16xf32> to vector<16xf32>
      %swap3A_567 = vector.shape_cast %select_n3A_559 : vector<16xf32> to vector<1x16xf32>
      tpu.vector_store %arg7[%swap3A_563, %swap3A_564], %swap3A_567 {strides = array<i32>} : memref<21x1024xf32, #tpu.memory_space<vmem>>, vector<1x16xf32>,
      %eq3A_568 = arith.constant 11 : i32
      %eq3A_569 = vector.broadcast %eq3A_568 : i32 to vector<16xi32>
      %eq3A_570 = arith.cmpi eq, %select_n3A, %eq3A_569 : vector<16xi32>
      %jit3A_571 = arith.constant 1.000000e+00 : f32
      %jit3A_572 = arith.constant 0.000000e+00 : f32
      %broadcast_in_dim3A_573 = vector.broadcast %jit3A_571 : f32 to vector<16xf32>
      %broadcast_in_dim3A_574 = vector.broadcast %jit3A_572 : f32 to vector<16xf32>
      %select_n3A_575 = arith.select %eq3A_570, %broadcast_in_dim3A_573, %broadcast_in_dim3A_574 : vector<16xi1>, vector<16xf32>
      %mul3A_576 = arith.constant 16 : i32
      %mul3A_577 = arith.muli %scan3A_383, %mul3A_576 : i32
      %swap3A_578 = arith.constant 11 : i32
      %swap3A_579 = arith.index_cast %swap3A_578 : i32 to index
      %swap3A_580 = arith.index_cast %mul3A_577 : i32 to index
      %swap3A_581 = tpu.vector_load %arg7[%swap3A_579, %swap3A_580] {strides = array<i32>} : memref<21x1024xf32, #tpu.memory_space<vmem>>, vector<1x16xf32>,
      %swap3A_582 = vector.shape_cast %swap3A_581 : vector<1x16xf32> to vector<16xf32>
      %swap3A_583 = vector.shape_cast %select_n3A_575 : vector<16xf32> to vector<1x16xf32>
      tpu.vector_store %arg7[%swap3A_579, %swap3A_580], %swap3A_583 {strides = array<i32>} : memref<21x1024xf32, #tpu.memory_space<vmem>>, vector<1x16xf32>,
      %eq3A_584 = arith.constant 12 : i32
      %eq3A_585 = vector.broadcast %eq3A_584 : i32 to vector<16xi32>
      %eq3A_586 = arith.cmpi eq, %select_n3A, %eq3A_585 : vector<16xi32>
      %jit3A_587 = arith.constant 1.000000e+00 : f32
      %jit3A_588 = arith.constant 0.000000e+00 : f32
      %broadcast_in_dim3A_589 = vector.broadcast %jit3A_587 : f32 to vector<16xf32>
      %broadcast_in_dim3A_590 = vector.broadcast %jit3A_588 : f32 to vector<16xf32>
      %select_n3A_591 = arith.select %eq3A_586, %broadcast_in_dim3A_589, %broadcast_in_dim3A_590 : vector<16xi1>, vector<16xf32>
      %mul3A_592 = arith.constant 16 : i32
      %mul3A_593 = arith.muli %scan3A_383, %mul3A_592 : i32
      %swap3A_594 = arith.constant 12 : i32
      %swap3A_595 = arith.index_cast %swap3A_594 : i32 to index
      %swap3A_596 = arith.index_cast %mul3A_593 : i32 to index
      %swap3A_597 = tpu.vector_load %arg7[%swap3A_595, %swap3A_596] {strides = array<i32>} : memref<21x1024xf32, #tpu.memory_space<vmem>>, vector<1x16xf32>,
      %swap3A_598 = vector.shape_cast %swap3A_597 : vector<1x16xf32> to vector<16xf32>
      %swap3A_599 = vector.shape_cast %select_n3A_591 : vector<16xf32> to vector<1x16xf32>
      tpu.vector_store %arg7[%swap3A_595, %swap3A_596], %swap3A_599 {strides = array<i32>} : memref<21x1024xf32, #tpu.memory_space<vmem>>, vector<1x16xf32>,
      %eq3A_600 = arith.constant 13 : i32
      %eq3A_601 = vector.broadcast %eq3A_600 : i32 to vector<16xi32>
      %eq3A_602 = arith.cmpi eq, %select_n3A, %eq3A_601 : vector<16xi32>
      %jit3A_603 = arith.constant 1.000000e+00 : f32
      %jit3A_604 = arith.constant 0.000000e+00 : f32
      %broadcast_in_dim3A_605 = vector.broadcast %jit3A_603 : f32 to vector<16xf32>
      %broadcast_in_dim3A_606 = vector.broadcast %jit3A_604 : f32 to vector<16xf32>
      %select_n3A_607 = arith.select %eq3A_602, %broadcast_in_dim3A_605, %broadcast_in_dim3A_606 : vector<16xi1>, vector<16xf32>
      %mul3A_608 = arith.constant 16 : i32
      %mul3A_609 = arith.muli %scan3A_383, %mul3A_608 : i32
      %swap3A_610 = arith.constant 13 : i32
      %swap3A_611 = arith.index_cast %swap3A_610 : i32 to index
      %swap3A_612 = arith.index_cast %mul3A_609 : i32 to index
      %swap3A_613 = tpu.vector_load %arg7[%swap3A_611, %swap3A_612] {strides = array<i32>} : memref<21x1024xf32, #tpu.memory_space<vmem>>, vector<1x16xf32>,
      %swap3A_614 = vector.shape_cast %swap3A_613 : vector<1x16xf32> to vector<16xf32>
      %swap3A_615 = vector.shape_cast %select_n3A_607 : vector<16xf32> to vector<1x16xf32>
      tpu.vector_store %arg7[%swap3A_611, %swap3A_612], %swap3A_615 {strides = array<i32>} : memref<21x1024xf32, #tpu.memory_space<vmem>>, vector<1x16xf32>,
      %eq3A_616 = arith.constant 14 : i32
      %eq3A_617 = vector.broadcast %eq3A_616 : i32 to vector<16xi32>
      %eq3A_618 = arith.cmpi eq, %select_n3A, %eq3A_617 : vector<16xi32>
      %jit3A_619 = arith.constant 1.000000e+00 : f32
      %jit3A_620 = arith.constant 0.000000e+00 : f32
      %broadcast_in_dim3A_621 = vector.broadcast %jit3A_619 : f32 to vector<16xf32>
      %broadcast_in_dim3A_622 = vector.broadcast %jit3A_620 : f32 to vector<16xf32>
      %select_n3A_623 = arith.select %eq3A_618, %broadcast_in_dim3A_621, %broadcast_in_dim3A_622 : vector<16xi1>, vector<16xf32>
      %mul3A_624 = arith.constant 16 : i32
      %mul3A_625 = arith.muli %scan3A_383, %mul3A_624 : i32
      %swap3A_626 = arith.constant 14 : i32
      %swap3A_627 = arith.index_cast %swap3A_626 : i32 to index
      %swap3A_628 = arith.index_cast %mul3A_625 : i32 to index
      %swap3A_629 = tpu.vector_load %arg7[%swap3A_627, %swap3A_628] {strides = array<i32>} : memref<21x1024xf32, #tpu.memory_space<vmem>>, vector<1x16xf32>,
      %swap3A_630 = vector.shape_cast %swap3A_629 : vector<1x16xf32> to vector<16xf32>
      %swap3A_631 = vector.shape_cast %select_n3A_623 : vector<16xf32> to vector<1x16xf32>
      tpu.vector_store %arg7[%swap3A_627, %swap3A_628], %swap3A_631 {strides = array<i32>} : memref<21x1024xf32, #tpu.memory_space<vmem>>, vector<1x16xf32>,
      %eq3A_632 = arith.constant 15 : i32
      %eq3A_633 = vector.broadcast %eq3A_632 : i32 to vector<16xi32>
      %eq3A_634 = arith.cmpi eq, %select_n3A, %eq3A_633 : vector<16xi32>
      %jit3A_635 = arith.constant 1.000000e+00 : f32
      %jit3A_636 = arith.constant 0.000000e+00 : f32
      %broadcast_in_dim3A_637 = vector.broadcast %jit3A_635 : f32 to vector<16xf32>
      %broadcast_in_dim3A_638 = vector.broadcast %jit3A_636 : f32 to vector<16xf32>
      %select_n3A_639 = arith.select %eq3A_634, %broadcast_in_dim3A_637, %broadcast_in_dim3A_638 : vector<16xi1>, vector<16xf32>
      %mul3A_640 = arith.constant 16 : i32
      %mul3A_641 = arith.muli %scan3A_383, %mul3A_640 : i32
      %swap3A_642 = arith.constant 15 : i32
      %swap3A_643 = arith.index_cast %swap3A_642 : i32 to index
      %swap3A_644 = arith.index_cast %mul3A_641 : i32 to index
      %swap3A_645 = tpu.vector_load %arg7[%swap3A_643, %swap3A_644] {strides = array<i32>} : memref<21x1024xf32, #tpu.memory_space<vmem>>, vector<1x16xf32>,
      %swap3A_646 = vector.shape_cast %swap3A_645 : vector<1x16xf32> to vector<16xf32>
      %swap3A_647 = vector.shape_cast %select_n3A_639 : vector<16xf32> to vector<1x16xf32>
      tpu.vector_store %arg7[%swap3A_643, %swap3A_644], %swap3A_647 {strides = array<i32>} : memref<21x1024xf32, #tpu.memory_space<vmem>>, vector<1x16xf32>,
      %eq3A_648 = arith.constant 16 : i32
      %eq3A_649 = vector.broadcast %eq3A_648 : i32 to vector<16xi32>
      %eq3A_650 = arith.cmpi eq, %select_n3A, %eq3A_649 : vector<16xi32>
      %jit3A_651 = arith.constant 1.000000e+00 : f32
      %jit3A_652 = arith.constant 0.000000e+00 : f32
      %broadcast_in_dim3A_653 = vector.broadcast %jit3A_651 : f32 to vector<16xf32>
      %broadcast_in_dim3A_654 = vector.broadcast %jit3A_652 : f32 to vector<16xf32>
      %select_n3A_655 = arith.select %eq3A_650, %broadcast_in_dim3A_653, %broadcast_in_dim3A_654 : vector<16xi1>, vector<16xf32>
      %mul3A_656 = arith.constant 16 : i32
      %mul3A_657 = arith.muli %scan3A_383, %mul3A_656 : i32
      %swap3A_658 = arith.constant 16 : i32
      %swap3A_659 = arith.index_cast %swap3A_658 : i32 to index
      %swap3A_660 = arith.index_cast %mul3A_657 : i32 to index
      %swap3A_661 = tpu.vector_load %arg7[%swap3A_659, %swap3A_660] {strides = array<i32>} : memref<21x1024xf32, #tpu.memory_space<vmem>>, vector<1x16xf32>,
      %swap3A_662 = vector.shape_cast %swap3A_661 : vector<1x16xf32> to vector<16xf32>
      %swap3A_663 = vector.shape_cast %select_n3A_655 : vector<16xf32> to vector<1x16xf32>
      tpu.vector_store %arg7[%swap3A_659, %swap3A_660], %swap3A_663 {strides = array<i32>} : memref<21x1024xf32, #tpu.memory_space<vmem>>, vector<1x16xf32>,
      %eq3A_664 = arith.constant 17 : i32
      %eq3A_665 = vector.broadcast %eq3A_664 : i32 to vector<16xi32>
      %eq3A_666 = arith.cmpi eq, %select_n3A, %eq3A_665 : vector<16xi32>
      %jit3A_667 = arith.constant 1.000000e+00 : f32
      %jit3A_668 = arith.constant 0.000000e+00 : f32
      %broadcast_in_dim3A_669 = vector.broadcast %jit3A_667 : f32 to vector<16xf32>
      %broadcast_in_dim3A_670 = vector.broadcast %jit3A_668 : f32 to vector<16xf32>
      %select_n3A_671 = arith.select %eq3A_666, %broadcast_in_dim3A_669, %broadcast_in_dim3A_670 : vector<16xi1>, vector<16xf32>
      %mul3A_672 = arith.constant 16 : i32
      %mul3A_673 = arith.muli %scan3A_383, %mul3A_672 : i32
      %swap3A_674 = arith.constant 17 : i32
      %swap3A_675 = arith.index_cast %swap3A_674 : i32 to index
      %swap3A_676 = arith.index_cast %mul3A_673 : i32 to index
      %swap3A_677 = tpu.vector_load %arg7[%swap3A_675, %swap3A_676] {strides = array<i32>} : memref<21x1024xf32, #tpu.memory_space<vmem>>, vector<1x16xf32>,
      %swap3A_678 = vector.shape_cast %swap3A_677 : vector<1x16xf32> to vector<16xf32>
      %swap3A_679 = vector.shape_cast %select_n3A_671 : vector<16xf32> to vector<1x16xf32>
      tpu.vector_store %arg7[%swap3A_675, %swap3A_676], %swap3A_679 {strides = array<i32>} : memref<21x1024xf32, #tpu.memory_space<vmem>>, vector<1x16xf32>,
      %eq3A_680 = arith.constant 18 : i32
      %eq3A_681 = vector.broadcast %eq3A_680 : i32 to vector<16xi32>
      %eq3A_682 = arith.cmpi eq, %select_n3A, %eq3A_681 : vector<16xi32>
      %jit3A_683 = arith.constant 1.000000e+00 : f32
      %jit3A_684 = arith.constant 0.000000e+00 : f32
      %broadcast_in_dim3A_685 = vector.broadcast %jit3A_683 : f32 to vector<16xf32>
      %broadcast_in_dim3A_686 = vector.broadcast %jit3A_684 : f32 to vector<16xf32>
      %select_n3A_687 = arith.select %eq3A_682, %broadcast_in_dim3A_685, %broadcast_in_dim3A_686 : vector<16xi1>, vector<16xf32>
      %mul3A_688 = arith.constant 16 : i32
      %mul3A_689 = arith.muli %scan3A_383, %mul3A_688 : i32
      %swap3A_690 = arith.constant 18 : i32
      %swap3A_691 = arith.index_cast %swap3A_690 : i32 to index
      %swap3A_692 = arith.index_cast %mul3A_689 : i32 to index
      %swap3A_693 = tpu.vector_load %arg7[%swap3A_691, %swap3A_692] {strides = array<i32>} : memref<21x1024xf32, #tpu.memory_space<vmem>>, vector<1x16xf32>,
      %swap3A_694 = vector.shape_cast %swap3A_693 : vector<1x16xf32> to vector<16xf32>
      %swap3A_695 = vector.shape_cast %select_n3A_687 : vector<16xf32> to vector<1x16xf32>
      tpu.vector_store %arg7[%swap3A_691, %swap3A_692], %swap3A_695 {strides = array<i32>} : memref<21x1024xf32, #tpu.memory_space<vmem>>, vector<1x16xf32>,
      %eq3A_696 = arith.constant 19 : i32
      %eq3A_697 = vector.broadcast %eq3A_696 : i32 to vector<16xi32>
      %eq3A_698 = arith.cmpi eq, %select_n3A, %eq3A_697 : vector<16xi32>
      %jit3A_699 = arith.constant 1.000000e+00 : f32
      %jit3A_700 = arith.constant 0.000000e+00 : f32
      %broadcast_in_dim3A_701 = vector.broadcast %jit3A_699 : f32 to vector<16xf32>
      %broadcast_in_dim3A_702 = vector.broadcast %jit3A_700 : f32 to vector<16xf32>
      %select_n3A_703 = arith.select %eq3A_698, %broadcast_in_dim3A_701, %broadcast_in_dim3A_702 : vector<16xi1>, vector<16xf32>
      %mul3A_704 = arith.constant 16 : i32
      %mul3A_705 = arith.muli %scan3A_383, %mul3A_704 : i32
      %swap3A_706 = arith.constant 19 : i32
      %swap3A_707 = arith.index_cast %swap3A_706 : i32 to index
      %swap3A_708 = arith.index_cast %mul3A_705 : i32 to index
      %swap3A_709 = tpu.vector_load %arg7[%swap3A_707, %swap3A_708] {strides = array<i32>} : memref<21x1024xf32, #tpu.memory_space<vmem>>, vector<1x16xf32>,
      %swap3A_710 = vector.shape_cast %swap3A_709 : vector<1x16xf32> to vector<16xf32>
      %swap3A_711 = vector.shape_cast %select_n3A_703 : vector<16xf32> to vector<1x16xf32>
      tpu.vector_store %arg7[%swap3A_707, %swap3A_708], %swap3A_711 {strides = array<i32>} : memref<21x1024xf32, #tpu.memory_space<vmem>>, vector<1x16xf32>,
      %eq3A_712 = arith.constant 20 : i32
      %eq3A_713 = vector.broadcast %eq3A_712 : i32 to vector<16xi32>
      %eq3A_714 = arith.cmpi eq, %select_n3A, %eq3A_713 : vector<16xi32>
      %jit3A_715 = arith.constant 1.000000e+00 : f32
      %jit3A_716 = arith.constant 0.000000e+00 : f32
      %broadcast_in_dim3A_717 = vector.broadcast %jit3A_715 : f32 to vector<16xf32>
      %broadcast_in_dim3A_718 = vector.broadcast %jit3A_716 : f32 to vector<16xf32>
      %select_n3A_719 = arith.select %eq3A_714, %broadcast_in_dim3A_717, %broadcast_in_dim3A_718 : vector<16xi1>, vector<16xf32>
      %mul3A_720 = arith.constant 16 : i32
      %mul3A_721 = arith.muli %scan3A_383, %mul3A_720 : i32
      %swap3A_722 = arith.constant 20 : i32
      %swap3A_723 = arith.index_cast %swap3A_722 : i32 to index
      %swap3A_724 = arith.index_cast %mul3A_721 : i32 to index
      %swap3A_725 = tpu.vector_load %arg7[%swap3A_723, %swap3A_724] {strides = array<i32>} : memref<21x1024xf32, #tpu.memory_space<vmem>>, vector<1x16xf32>,
      %swap3A_726 = vector.shape_cast %swap3A_725 : vector<1x16xf32> to vector<16xf32>
      %swap3A_727 = vector.shape_cast %select_n3A_719 : vector<16xf32> to vector<1x16xf32>
      tpu.vector_store %arg7[%swap3A_723, %swap3A_724], %swap3A_727 {strides = array<i32>} : memref<21x1024xf32, #tpu.memory_space<vmem>>, vector<1x16xf32>,
    }
    %scan3A_7 = arith.constant 64 : i32
    %add3A = arith.constant 0 : i32
    %add3A_8 = arith.addi %add3A, %arg1 : i32
    %dma_start3A = arith.constant 0 : i32
    %dma_start3A_9 = arith.constant 0 : i32
    %dma_start3A_10 = tpu.memref_slice %arg7[%dma_start3A, %dma_start3A_9] : memref<21x1024xf32, #tpu.memory_space<vmem>> -> memref<1x1024xf32, #tpu.memory_space<vmem>>
    %dma_start3A_11 = tpu.memref_slice %arg4[%add3A_8, %mul3A_0] : memref<336x2048xf32, #tpu.memory_space<hbm>> -> memref<1x1024xf32, #tpu.memory_space<hbm>>
    %dma_start3A_12 = tpu.memref_slice %arg4[%add3A_8, %mul3A_0] : memref<336x2048xf32, #tpu.memory_space<hbm>> -> memref<1x1024xf32, #tpu.memory_space<hbm>>
    %dma_start3A_13 = arith.constant 0 : i32
    %dma_start3A_14 = arith.constant 0 : i32
    %dma_start3A_15 = tpu.memref_slice %arg7[%dma_start3A_13, %dma_start3A_14] : memref<21x1024xf32, #tpu.memory_space<vmem>> -> memref<1x1024xf32, #tpu.memory_space<vmem>>
    tpu.enqueue_dma source(%dma_start3A_15 : memref<1x1024xf32, #tpu.memory_space<vmem>>) target(%dma_start3A_12 : memref<1x1024xf32, #tpu.memory_space<hbm>>) target_semaphore(%arg8 : memref<!tpu.dma_semaphore, #tpu.memory_space<semaphore_mem>>)
    %add3A_16 = arith.constant 16 : i32
    %add3A_17 = arith.addi %add3A_16, %arg1 : i32
    %dma_start3A_18 = arith.constant 1 : i32
    %dma_start3A_19 = arith.constant 0 : i32
    %dma_start3A_20 = tpu.memref_slice %arg7[%dma_start3A_18, %dma_start3A_19] : memref<21x1024xf32, #tpu.memory_space<vmem>> -> memref<1x1024xf32, #tpu.memory_space<vmem>>
    %dma_start3A_21 = tpu.memref_slice %arg4[%add3A_17, %mul3A_0] : memref<336x2048xf32, #tpu.memory_space<hbm>> -> memref<1x1024xf32, #tpu.memory_space<hbm>>
    %dma_start3A_22 = tpu.memref_slice %arg4[%add3A_17, %mul3A_0] : memref<336x2048xf32, #tpu.memory_space<hbm>> -> memref<1x1024xf32, #tpu.memory_space<hbm>>
    %dma_start3A_23 = arith.constant 1 : i32
    %dma_start3A_24 = arith.constant 0 : i32
    %dma_start3A_25 = tpu.memref_slice %arg7[%dma_start3A_23, %dma_start3A_24] : memref<21x1024xf32, #tpu.memory_space<vmem>> -> memref<1x1024xf32, #tpu.memory_space<vmem>>
    tpu.enqueue_dma source(%dma_start3A_25 : memref<1x1024xf32, #tpu.memory_space<vmem>>) target(%dma_start3A_22 : memref<1x1024xf32, #tpu.memory_space<hbm>>) target_semaphore(%arg8 : memref<!tpu.dma_semaphore, #tpu.memory_space<semaphore_mem>>)
    %add3A_26 = arith.constant 32 : i32
    %add3A_27 = arith.addi %add3A_26, %arg1 : i32
    %dma_start3A_28 = arith.constant 2 : i32
    %dma_start3A_29 = arith.constant 0 : i32
    %dma_start3A_30 = tpu.memref_slice %arg7[%dma_start3A_28, %dma_start3A_29] : memref<21x1024xf32, #tpu.memory_space<vmem>> -> memref<1x1024xf32, #tpu.memory_space<vmem>>
    %dma_start3A_31 = tpu.memref_slice %arg4[%add3A_27, %mul3A_0] : memref<336x2048xf32, #tpu.memory_space<hbm>> -> memref<1x1024xf32, #tpu.memory_space<hbm>>
    %dma_start3A_32 = tpu.memref_slice %arg4[%add3A_27, %mul3A_0] : memref<336x2048xf32, #tpu.memory_space<hbm>> -> memref<1x1024xf32, #tpu.memory_space<hbm>>
    %dma_start3A_33 = arith.constant 2 : i32
    %dma_start3A_34 = arith.constant 0 : i32
    %dma_start3A_35 = tpu.memref_slice %arg7[%dma_start3A_33, %dma_start3A_34] : memref<21x1024xf32, #tpu.memory_space<vmem>> -> memref<1x1024xf32, #tpu.memory_space<vmem>>
    tpu.enqueue_dma source(%dma_start3A_35 : memref<1x1024xf32, #tpu.memory_space<vmem>>) target(%dma_start3A_32 : memref<1x1024xf32, #tpu.memory_space<hbm>>) target_semaphore(%arg8 : memref<!tpu.dma_semaphore, #tpu.memory_space<semaphore_mem>>)
    %add3A_36 = arith.constant 48 : i32
    %add3A_37 = arith.addi %add3A_36, %arg1 : i32
    %dma_start3A_38 = arith.constant 3 : i32
    %dma_start3A_39 = arith.constant 0 : i32
    %dma_start3A_40 = tpu.memref_slice %arg7[%dma_start3A_38, %dma_start3A_39] : memref<21x1024xf32, #tpu.memory_space<vmem>> -> memref<1x1024xf32, #tpu.memory_space<vmem>>
    %dma_start3A_41 = tpu.memref_slice %arg4[%add3A_37, %mul3A_0] : memref<336x2048xf32, #tpu.memory_space<hbm>> -> memref<1x1024xf32, #tpu.memory_space<hbm>>
    %dma_start3A_42 = tpu.memref_slice %arg4[%add3A_37, %mul3A_0] : memref<336x2048xf32, #tpu.memory_space<hbm>> -> memref<1x1024xf32, #tpu.memory_space<hbm>>
    %dma_start3A_43 = arith.constant 3 : i32
    %dma_start3A_44 = arith.constant 0 : i32
    %dma_start3A_45 = tpu.memref_slice %arg7[%dma_start3A_43, %dma_start3A_44] : memref<21x1024xf32, #tpu.memory_space<vmem>> -> memref<1x1024xf32, #tpu.memory_space<vmem>>
    tpu.enqueue_dma source(%dma_start3A_45 : memref<1x1024xf32, #tpu.memory_space<vmem>>) target(%dma_start3A_42 : memref<1x1024xf32, #tpu.memory_space<hbm>>) target_semaphore(%arg8 : memref<!tpu.dma_semaphore, #tpu.memory_space<semaphore_mem>>)
    %add3A_46 = arith.constant 64 : i32
    %add3A_47 = arith.addi %add3A_46, %arg1 : i32
    %dma_start3A_48 = arith.constant 4 : i32
    %dma_start3A_49 = arith.constant 0 : i32
    %dma_start3A_50 = tpu.memref_slice %arg7[%dma_start3A_48, %dma_start3A_49] : memref<21x1024xf32, #tpu.memory_space<vmem>> -> memref<1x1024xf32, #tpu.memory_space<vmem>>
    %dma_start3A_51 = tpu.memref_slice %arg4[%add3A_47, %mul3A_0] : memref<336x2048xf32, #tpu.memory_space<hbm>> -> memref<1x1024xf32, #tpu.memory_space<hbm>>
    %dma_start3A_52 = tpu.memref_slice %arg4[%add3A_47, %mul3A_0] : memref<336x2048xf32, #tpu.memory_space<hbm>> -> memref<1x1024xf32, #tpu.memory_space<hbm>>
    %dma_start3A_53 = arith.constant 4 : i32
    %dma_start3A_54 = arith.constant 0 : i32
    %dma_start3A_55 = tpu.memref_slice %arg7[%dma_start3A_53, %dma_start3A_54] : memref<21x1024xf32, #tpu.memory_space<vmem>> -> memref<1x1024xf32, #tpu.memory_space<vmem>>
    tpu.enqueue_dma source(%dma_start3A_55 : memref<1x1024xf32, #tpu.memory_space<vmem>>) target(%dma_start3A_52 : memref<1x1024xf32, #tpu.memory_space<hbm>>) target_semaphore(%arg8 : memref<!tpu.dma_semaphore, #tpu.memory_space<semaphore_mem>>)
    %add3A_56 = arith.constant 80 : i32
    %add3A_57 = arith.addi %add3A_56, %arg1 : i32
    %dma_start3A_58 = arith.constant 5 : i32
    %dma_start3A_59 = arith.constant 0 : i32
    %dma_start3A_60 = tpu.memref_slice %arg7[%dma_start3A_58, %dma_start3A_59] : memref<21x1024xf32, #tpu.memory_space<vmem>> -> memref<1x1024xf32, #tpu.memory_space<vmem>>
    %dma_start3A_61 = tpu.memref_slice %arg4[%add3A_57, %mul3A_0] : memref<336x2048xf32, #tpu.memory_space<hbm>> -> memref<1x1024xf32, #tpu.memory_space<hbm>>
    %dma_start3A_62 = tpu.memref_slice %arg4[%add3A_57, %mul3A_0] : memref<336x2048xf32, #tpu.memory_space<hbm>> -> memref<1x1024xf32, #tpu.memory_space<hbm>>
    %dma_start3A_63 = arith.constant 5 : i32
    %dma_start3A_64 = arith.constant 0 : i32
    %dma_start3A_65 = tpu.memref_slice %arg7[%dma_start3A_63, %dma_start3A_64] : memref<21x1024xf32, #tpu.memory_space<vmem>> -> memref<1x1024xf32, #tpu.memory_space<vmem>>
    tpu.enqueue_dma source(%dma_start3A_65 : memref<1x1024xf32, #tpu.memory_space<vmem>>) target(%dma_start3A_62 : memref<1x1024xf32, #tpu.memory_space<hbm>>) target_semaphore(%arg8 : memref<!tpu.dma_semaphore, #tpu.memory_space<semaphore_mem>>)
    %add3A_66 = arith.constant 96 : i32
    %add3A_67 = arith.addi %add3A_66, %arg1 : i32
    %dma_start3A_68 = arith.constant 6 : i32
    %dma_start3A_69 = arith.constant 0 : i32
    %dma_start3A_70 = tpu.memref_slice %arg7[%dma_start3A_68, %dma_start3A_69] : memref<21x1024xf32, #tpu.memory_space<vmem>> -> memref<1x1024xf32, #tpu.memory_space<vmem>>
    %dma_start3A_71 = tpu.memref_slice %arg4[%add3A_67, %mul3A_0] : memref<336x2048xf32, #tpu.memory_space<hbm>> -> memref<1x1024xf32, #tpu.memory_space<hbm>>
    %dma_start3A_72 = tpu.memref_slice %arg4[%add3A_67, %mul3A_0] : memref<336x2048xf32, #tpu.memory_space<hbm>> -> memref<1x1024xf32, #tpu.memory_space<hbm>>
    %dma_start3A_73 = arith.constant 6 : i32
    %dma_start3A_74 = arith.constant 0 : i32
    %dma_start3A_75 = tpu.memref_slice %arg7[%dma_start3A_73, %dma_start3A_74] : memref<21x1024xf32, #tpu.memory_space<vmem>> -> memref<1x1024xf32, #tpu.memory_space<vmem>>
    tpu.enqueue_dma source(%dma_start3A_75 : memref<1x1024xf32, #tpu.memory_space<vmem>>) target(%dma_start3A_72 : memref<1x1024xf32, #tpu.memory_space<hbm>>) target_semaphore(%arg8 : memref<!tpu.dma_semaphore, #tpu.memory_space<semaphore_mem>>)
    %add3A_76 = arith.constant 112 : i32
    %add3A_77 = arith.addi %add3A_76, %arg1 : i32
    %dma_start3A_78 = arith.constant 7 : i32
    %dma_start3A_79 = arith.constant 0 : i32
    %dma_start3A_80 = tpu.memref_slice %arg7[%dma_start3A_78, %dma_start3A_79] : memref<21x1024xf32, #tpu.memory_space<vmem>> -> memref<1x1024xf32, #tpu.memory_space<vmem>>
    %dma_start3A_81 = tpu.memref_slice %arg4[%add3A_77, %mul3A_0] : memref<336x2048xf32, #tpu.memory_space<hbm>> -> memref<1x1024xf32, #tpu.memory_space<hbm>>
    %dma_start3A_82 = tpu.memref_slice %arg4[%add3A_77, %mul3A_0] : memref<336x2048xf32, #tpu.memory_space<hbm>> -> memref<1x1024xf32, #tpu.memory_space<hbm>>
    %dma_start3A_83 = arith.constant 7 : i32
    %dma_start3A_84 = arith.constant 0 : i32
    %dma_start3A_85 = tpu.memref_slice %arg7[%dma_start3A_83, %dma_start3A_84] : memref<21x1024xf32, #tpu.memory_space<vmem>> -> memref<1x1024xf32, #tpu.memory_space<vmem>>
    tpu.enqueue_dma source(%dma_start3A_85 : memref<1x1024xf32, #tpu.memory_space<vmem>>) target(%dma_start3A_82 : memref<1x1024xf32, #tpu.memory_space<hbm>>) target_semaphore(%arg8 : memref<!tpu.dma_semaphore, #tpu.memory_space<semaphore_mem>>)
    %add3A_86 = arith.constant 128 : i32
    %add3A_87 = arith.addi %add3A_86, %arg1 : i32
    %dma_start3A_88 = arith.constant 8 : i32
    %dma_start3A_89 = arith.constant 0 : i32
    %dma_start3A_90 = tpu.memref_slice %arg7[%dma_start3A_88, %dma_start3A_89] : memref<21x1024xf32, #tpu.memory_space<vmem>> -> memref<1x1024xf32, #tpu.memory_space<vmem>>
    %dma_start3A_91 = tpu.memref_slice %arg4[%add3A_87, %mul3A_0] : memref<336x2048xf32, #tpu.memory_space<hbm>> -> memref<1x1024xf32, #tpu.memory_space<hbm>>
    %dma_start3A_92 = tpu.memref_slice %arg4[%add3A_87, %mul3A_0] : memref<336x2048xf32, #tpu.memory_space<hbm>> -> memref<1x1024xf32, #tpu.memory_space<hbm>>
    %dma_start3A_93 = arith.constant 8 : i32
    %dma_start3A_94 = arith.constant 0 : i32
    %dma_start3A_95 = tpu.memref_slice %arg7[%dma_start3A_93, %dma_start3A_94] : memref<21x1024xf32, #tpu.memory_space<vmem>> -> memref<1x1024xf32, #tpu.memory_space<vmem>>
    tpu.enqueue_dma source(%dma_start3A_95 : memref<1x1024xf32, #tpu.memory_space<vmem>>) target(%dma_start3A_92 : memref<1x1024xf32, #tpu.memory_space<hbm>>) target_semaphore(%arg8 : memref<!tpu.dma_semaphore, #tpu.memory_space<semaphore_mem>>)
    %add3A_96 = arith.constant 144 : i32
    %add3A_97 = arith.addi %add3A_96, %arg1 : i32
    %dma_start3A_98 = arith.constant 9 : i32
    %dma_start3A_99 = arith.constant 0 : i32
    %dma_start3A_100 = tpu.memref_slice %arg7[%dma_start3A_98, %dma_start3A_99] : memref<21x1024xf32, #tpu.memory_space<vmem>> -> memref<1x1024xf32, #tpu.memory_space<vmem>>
    %dma_start3A_101 = tpu.memref_slice %arg4[%add3A_97, %mul3A_0] : memref<336x2048xf32, #tpu.memory_space<hbm>> -> memref<1x1024xf32, #tpu.memory_space<hbm>>
    %dma_start3A_102 = tpu.memref_slice %arg4[%add3A_97, %mul3A_0] : memref<336x2048xf32, #tpu.memory_space<hbm>> -> memref<1x1024xf32, #tpu.memory_space<hbm>>
    %dma_start3A_103 = arith.constant 9 : i32
    %dma_start3A_104 = arith.constant 0 : i32
    %dma_start3A_105 = tpu.memref_slice %arg7[%dma_start3A_103, %dma_start3A_104] : memref<21x1024xf32, #tpu.memory_space<vmem>> -> memref<1x1024xf32, #tpu.memory_space<vmem>>
    tpu.enqueue_dma source(%dma_start3A_105 : memref<1x1024xf32, #tpu.memory_space<vmem>>) target(%dma_start3A_102 : memref<1x1024xf32, #tpu.memory_space<hbm>>) target_semaphore(%arg8 : memref<!tpu.dma_semaphore, #tpu.memory_space<semaphore_mem>>)
    %add3A_106 = arith.constant 160 : i32
    %add3A_107 = arith.addi %add3A_106, %arg1 : i32
    %dma_start3A_108 = arith.constant 10 : i32
    %dma_start3A_109 = arith.constant 0 : i32
    %dma_start3A_110 = tpu.memref_slice %arg7[%dma_start3A_108, %dma_start3A_109] : memref<21x1024xf32, #tpu.memory_space<vmem>> -> memref<1x1024xf32, #tpu.memory_space<vmem>>
    %dma_start3A_111 = tpu.memref_slice %arg4[%add3A_107, %mul3A_0] : memref<336x2048xf32, #tpu.memory_space<hbm>> -> memref<1x1024xf32, #tpu.memory_space<hbm>>
    %dma_start3A_112 = tpu.memref_slice %arg4[%add3A_107, %mul3A_0] : memref<336x2048xf32, #tpu.memory_space<hbm>> -> memref<1x1024xf32, #tpu.memory_space<hbm>>
    %dma_start3A_113 = arith.constant 10 : i32
    %dma_start3A_114 = arith.constant 0 : i32
    %dma_start3A_115 = tpu.memref_slice %arg7[%dma_start3A_113, %dma_start3A_114] : memref<21x1024xf32, #tpu.memory_space<vmem>> -> memref<1x1024xf32, #tpu.memory_space<vmem>>
    tpu.enqueue_dma source(%dma_start3A_115 : memref<1x1024xf32, #tpu.memory_space<vmem>>) target(%dma_start3A_112 : memref<1x1024xf32, #tpu.memory_space<hbm>>) target_semaphore(%arg8 : memref<!tpu.dma_semaphore, #tpu.memory_space<semaphore_mem>>)
    %add3A_116 = arith.constant 176 : i32
    %add3A_117 = arith.addi %add3A_116, %arg1 : i32
    %dma_start3A_118 = arith.constant 11 : i32
    %dma_start3A_119 = arith.constant 0 : i32
    %dma_start3A_120 = tpu.memref_slice %arg7[%dma_start3A_118, %dma_start3A_119] : memref<21x1024xf32, #tpu.memory_space<vmem>> -> memref<1x1024xf32, #tpu.memory_space<vmem>>
    %dma_start3A_121 = tpu.memref_slice %arg4[%add3A_117, %mul3A_0] : memref<336x2048xf32, #tpu.memory_space<hbm>> -> memref<1x1024xf32, #tpu.memory_space<hbm>>
    %dma_start3A_122 = tpu.memref_slice %arg4[%add3A_117, %mul3A_0] : memref<336x2048xf32, #tpu.memory_space<hbm>> -> memref<1x1024xf32, #tpu.memory_space<hbm>>
    %dma_start3A_123 = arith.constant 11 : i32
    %dma_start3A_124 = arith.constant 0 : i32
    %dma_start3A_125 = tpu.memref_slice %arg7[%dma_start3A_123, %dma_start3A_124] : memref<21x1024xf32, #tpu.memory_space<vmem>> -> memref<1x1024xf32, #tpu.memory_space<vmem>>
    tpu.enqueue_dma source(%dma_start3A_125 : memref<1x1024xf32, #tpu.memory_space<vmem>>) target(%dma_start3A_122 : memref<1x1024xf32, #tpu.memory_space<hbm>>) target_semaphore(%arg8 : memref<!tpu.dma_semaphore, #tpu.memory_space<semaphore_mem>>)
    %add3A_126 = arith.constant 192 : i32
    %add3A_127 = arith.addi %add3A_126, %arg1 : i32
    %dma_start3A_128 = arith.constant 12 : i32
    %dma_start3A_129 = arith.constant 0 : i32
    %dma_start3A_130 = tpu.memref_slice %arg7[%dma_start3A_128, %dma_start3A_129] : memref<21x1024xf32, #tpu.memory_space<vmem>> -> memref<1x1024xf32, #tpu.memory_space<vmem>>
    %dma_start3A_131 = tpu.memref_slice %arg4[%add3A_127, %mul3A_0] : memref<336x2048xf32, #tpu.memory_space<hbm>> -> memref<1x1024xf32, #tpu.memory_space<hbm>>
    %dma_start3A_132 = tpu.memref_slice %arg4[%add3A_127, %mul3A_0] : memref<336x2048xf32, #tpu.memory_space<hbm>> -> memref<1x1024xf32, #tpu.memory_space<hbm>>
    %dma_start3A_133 = arith.constant 12 : i32
    %dma_start3A_134 = arith.constant 0 : i32
    %dma_start3A_135 = tpu.memref_slice %arg7[%dma_start3A_133, %dma_start3A_134] : memref<21x1024xf32, #tpu.memory_space<vmem>> -> memref<1x1024xf32, #tpu.memory_space<vmem>>
    tpu.enqueue_dma source(%dma_start3A_135 : memref<1x1024xf32, #tpu.memory_space<vmem>>) target(%dma_start3A_132 : memref<1x1024xf32, #tpu.memory_space<hbm>>) target_semaphore(%arg8 : memref<!tpu.dma_semaphore, #tpu.memory_space<semaphore_mem>>)
    %add3A_136 = arith.constant 208 : i32
    %add3A_137 = arith.addi %add3A_136, %arg1 : i32
    %dma_start3A_138 = arith.constant 13 : i32
    %dma_start3A_139 = arith.constant 0 : i32
    %dma_start3A_140 = tpu.memref_slice %arg7[%dma_start3A_138, %dma_start3A_139] : memref<21x1024xf32, #tpu.memory_space<vmem>> -> memref<1x1024xf32, #tpu.memory_space<vmem>>
    %dma_start3A_141 = tpu.memref_slice %arg4[%add3A_137, %mul3A_0] : memref<336x2048xf32, #tpu.memory_space<hbm>> -> memref<1x1024xf32, #tpu.memory_space<hbm>>
    %dma_start3A_142 = tpu.memref_slice %arg4[%add3A_137, %mul3A_0] : memref<336x2048xf32, #tpu.memory_space<hbm>> -> memref<1x1024xf32, #tpu.memory_space<hbm>>
    %dma_start3A_143 = arith.constant 13 : i32
    %dma_start3A_144 = arith.constant 0 : i32
    %dma_start3A_145 = tpu.memref_slice %arg7[%dma_start3A_143, %dma_start3A_144] : memref<21x1024xf32, #tpu.memory_space<vmem>> -> memref<1x1024xf32, #tpu.memory_space<vmem>>
    tpu.enqueue_dma source(%dma_start3A_145 : memref<1x1024xf32, #tpu.memory_space<vmem>>) target(%dma_start3A_142 : memref<1x1024xf32, #tpu.memory_space<hbm>>) target_semaphore(%arg8 : memref<!tpu.dma_semaphore, #tpu.memory_space<semaphore_mem>>)
    %add3A_146 = arith.constant 224 : i32
    %add3A_147 = arith.addi %add3A_146, %arg1 : i32
    %dma_start3A_148 = arith.constant 14 : i32
    %dma_start3A_149 = arith.constant 0 : i32
    %dma_start3A_150 = tpu.memref_slice %arg7[%dma_start3A_148, %dma_start3A_149] : memref<21x1024xf32, #tpu.memory_space<vmem>> -> memref<1x1024xf32, #tpu.memory_space<vmem>>
    %dma_start3A_151 = tpu.memref_slice %arg4[%add3A_147, %mul3A_0] : memref<336x2048xf32, #tpu.memory_space<hbm>> -> memref<1x1024xf32, #tpu.memory_space<hbm>>
    %dma_start3A_152 = tpu.memref_slice %arg4[%add3A_147, %mul3A_0] : memref<336x2048xf32, #tpu.memory_space<hbm>> -> memref<1x1024xf32, #tpu.memory_space<hbm>>
    %dma_start3A_153 = arith.constant 14 : i32
    %dma_start3A_154 = arith.constant 0 : i32
    %dma_start3A_155 = tpu.memref_slice %arg7[%dma_start3A_153, %dma_start3A_154] : memref<21x1024xf32, #tpu.memory_space<vmem>> -> memref<1x1024xf32, #tpu.memory_space<vmem>>
    tpu.enqueue_dma source(%dma_start3A_155 : memref<1x1024xf32, #tpu.memory_space<vmem>>) target(%dma_start3A_152 : memref<1x1024xf32, #tpu.memory_space<hbm>>) target_semaphore(%arg8 : memref<!tpu.dma_semaphore, #tpu.memory_space<semaphore_mem>>)
    %add3A_156 = arith.constant 240 : i32
    %add3A_157 = arith.addi %add3A_156, %arg1 : i32
    %dma_start3A_158 = arith.constant 15 : i32
    %dma_start3A_159 = arith.constant 0 : i32
    %dma_start3A_160 = tpu.memref_slice %arg7[%dma_start3A_158, %dma_start3A_159] : memref<21x1024xf32, #tpu.memory_space<vmem>> -> memref<1x1024xf32, #tpu.memory_space<vmem>>
    %dma_start3A_161 = tpu.memref_slice %arg4[%add3A_157, %mul3A_0] : memref<336x2048xf32, #tpu.memory_space<hbm>> -> memref<1x1024xf32, #tpu.memory_space<hbm>>
    %dma_start3A_162 = tpu.memref_slice %arg4[%add3A_157, %mul3A_0] : memref<336x2048xf32, #tpu.memory_space<hbm>> -> memref<1x1024xf32, #tpu.memory_space<hbm>>
    %dma_start3A_163 = arith.constant 15 : i32
    %dma_start3A_164 = arith.constant 0 : i32
    %dma_start3A_165 = tpu.memref_slice %arg7[%dma_start3A_163, %dma_start3A_164] : memref<21x1024xf32, #tpu.memory_space<vmem>> -> memref<1x1024xf32, #tpu.memory_space<vmem>>
    tpu.enqueue_dma source(%dma_start3A_165 : memref<1x1024xf32, #tpu.memory_space<vmem>>) target(%dma_start3A_162 : memref<1x1024xf32, #tpu.memory_space<hbm>>) target_semaphore(%arg8 : memref<!tpu.dma_semaphore, #tpu.memory_space<semaphore_mem>>)
    %add3A_166 = arith.constant 256 : i32
    %add3A_167 = arith.addi %add3A_166, %arg1 : i32
    %dma_start3A_168 = arith.constant 16 : i32
    %dma_start3A_169 = arith.constant 0 : i32
    %dma_start3A_170 = tpu.memref_slice %arg7[%dma_start3A_168, %dma_start3A_169] : memref<21x1024xf32, #tpu.memory_space<vmem>> -> memref<1x1024xf32, #tpu.memory_space<vmem>>
    %dma_start3A_171 = tpu.memref_slice %arg4[%add3A_167, %mul3A_0] : memref<336x2048xf32, #tpu.memory_space<hbm>> -> memref<1x1024xf32, #tpu.memory_space<hbm>>
    %dma_start3A_172 = tpu.memref_slice %arg4[%add3A_167, %mul3A_0] : memref<336x2048xf32, #tpu.memory_space<hbm>> -> memref<1x1024xf32, #tpu.memory_space<hbm>>
    %dma_start3A_173 = arith.constant 16 : i32
    %dma_start3A_174 = arith.constant 0 : i32
    %dma_start3A_175 = tpu.memref_slice %arg7[%dma_start3A_173, %dma_start3A_174] : memref<21x1024xf32, #tpu.memory_space<vmem>> -> memref<1x1024xf32, #tpu.memory_space<vmem>>
    tpu.enqueue_dma source(%dma_start3A_175 : memref<1x1024xf32, #tpu.memory_space<vmem>>) target(%dma_start3A_172 : memref<1x1024xf32, #tpu.memory_space<hbm>>) target_semaphore(%arg8 : memref<!tpu.dma_semaphore, #tpu.memory_space<semaphore_mem>>)
    %add3A_176 = arith.constant 272 : i32
    %add3A_177 = arith.addi %add3A_176, %arg1 : i32
    %dma_start3A_178 = arith.constant 17 : i32
    %dma_start3A_179 = arith.constant 0 : i32
    %dma_start3A_180 = tpu.memref_slice %arg7[%dma_start3A_178, %dma_start3A_179] : memref<21x1024xf32, #tpu.memory_space<vmem>> -> memref<1x1024xf32, #tpu.memory_space<vmem>>
    %dma_start3A_181 = tpu.memref_slice %arg4[%add3A_177, %mul3A_0] : memref<336x2048xf32, #tpu.memory_space<hbm>> -> memref<1x1024xf32, #tpu.memory_space<hbm>>
    %dma_start3A_182 = tpu.memref_slice %arg4[%add3A_177, %mul3A_0] : memref<336x2048xf32, #tpu.memory_space<hbm>> -> memref<1x1024xf32, #tpu.memory_space<hbm>>
    %dma_start3A_183 = arith.constant 17 : i32
    %dma_start3A_184 = arith.constant 0 : i32
    %dma_start3A_185 = tpu.memref_slice %arg7[%dma_start3A_183, %dma_start3A_184] : memref<21x1024xf32, #tpu.memory_space<vmem>> -> memref<1x1024xf32, #tpu.memory_space<vmem>>
    tpu.enqueue_dma source(%dma_start3A_185 : memref<1x1024xf32, #tpu.memory_space<vmem>>) target(%dma_start3A_182 : memref<1x1024xf32, #tpu.memory_space<hbm>>) target_semaphore(%arg8 : memref<!tpu.dma_semaphore, #tpu.memory_space<semaphore_mem>>)
    %add3A_186 = arith.constant 288 : i32
    %add3A_187 = arith.addi %add3A_186, %arg1 : i32
    %dma_start3A_188 = arith.constant 18 : i32
    %dma_start3A_189 = arith.constant 0 : i32
    %dma_start3A_190 = tpu.memref_slice %arg7[%dma_start3A_188, %dma_start3A_189] : memref<21x1024xf32, #tpu.memory_space<vmem>> -> memref<1x1024xf32, #tpu.memory_space<vmem>>
    %dma_start3A_191 = tpu.memref_slice %arg4[%add3A_187, %mul3A_0] : memref<336x2048xf32, #tpu.memory_space<hbm>> -> memref<1x1024xf32, #tpu.memory_space<hbm>>
    %dma_start3A_192 = tpu.memref_slice %arg4[%add3A_187, %mul3A_0] : memref<336x2048xf32, #tpu.memory_space<hbm>> -> memref<1x1024xf32, #tpu.memory_space<hbm>>
    %dma_start3A_193 = arith.constant 18 : i32
    %dma_start3A_194 = arith.constant 0 : i32
    %dma_start3A_195 = tpu.memref_slice %arg7[%dma_start3A_193, %dma_start3A_194] : memref<21x1024xf32, #tpu.memory_space<vmem>> -> memref<1x1024xf32, #tpu.memory_space<vmem>>
    tpu.enqueue_dma source(%dma_start3A_195 : memref<1x1024xf32, #tpu.memory_space<vmem>>) target(%dma_start3A_192 : memref<1x1024xf32, #tpu.memory_space<hbm>>) target_semaphore(%arg8 : memref<!tpu.dma_semaphore, #tpu.memory_space<semaphore_mem>>)
    %add3A_196 = arith.constant 304 : i32
    %add3A_197 = arith.addi %add3A_196, %arg1 : i32
    %dma_start3A_198 = arith.constant 19 : i32
    %dma_start3A_199 = arith.constant 0 : i32
    %dma_start3A_200 = tpu.memref_slice %arg7[%dma_start3A_198, %dma_start3A_199] : memref<21x1024xf32, #tpu.memory_space<vmem>> -> memref<1x1024xf32, #tpu.memory_space<vmem>>
    %dma_start3A_201 = tpu.memref_slice %arg4[%add3A_197, %mul3A_0] : memref<336x2048xf32, #tpu.memory_space<hbm>> -> memref<1x1024xf32, #tpu.memory_space<hbm>>
    %dma_start3A_202 = tpu.memref_slice %arg4[%add3A_197, %mul3A_0] : memref<336x2048xf32, #tpu.memory_space<hbm>> -> memref<1x1024xf32, #tpu.memory_space<hbm>>
    %dma_start3A_203 = arith.constant 19 : i32
    %dma_start3A_204 = arith.constant 0 : i32
    %dma_start3A_205 = tpu.memref_slice %arg7[%dma_start3A_203, %dma_start3A_204] : memref<21x1024xf32, #tpu.memory_space<vmem>> -> memref<1x1024xf32, #tpu.memory_space<vmem>>
    tpu.enqueue_dma source(%dma_start3A_205 : memref<1x1024xf32, #tpu.memory_space<vmem>>) target(%dma_start3A_202 : memref<1x1024xf32, #tpu.memory_space<hbm>>) target_semaphore(%arg8 : memref<!tpu.dma_semaphore, #tpu.memory_space<semaphore_mem>>)
    %add3A_206 = arith.constant 320 : i32
    %add3A_207 = arith.addi %add3A_206, %arg1 : i32
    %dma_start3A_208 = arith.constant 20 : i32
    %dma_start3A_209 = arith.constant 0 : i32
    %dma_start3A_210 = tpu.memref_slice %arg7[%dma_start3A_208, %dma_start3A_209] : memref<21x1024xf32, #tpu.memory_space<vmem>> -> memref<1x1024xf32, #tpu.memory_space<vmem>>
    %dma_start3A_211 = tpu.memref_slice %arg4[%add3A_207, %mul3A_0] : memref<336x2048xf32, #tpu.memory_space<hbm>> -> memref<1x1024xf32, #tpu.memory_space<hbm>>
    %dma_start3A_212 = tpu.memref_slice %arg4[%add3A_207, %mul3A_0] : memref<336x2048xf32, #tpu.memory_space<hbm>> -> memref<1x1024xf32, #tpu.memory_space<hbm>>
    %dma_start3A_213 = arith.constant 20 : i32
    %dma_start3A_214 = arith.constant 0 : i32
    %dma_start3A_215 = tpu.memref_slice %arg7[%dma_start3A_213, %dma_start3A_214] : memref<21x1024xf32, #tpu.memory_space<vmem>> -> memref<1x1024xf32, #tpu.memory_space<vmem>>
    tpu.enqueue_dma source(%dma_start3A_215 : memref<1x1024xf32, #tpu.memory_space<vmem>>) target(%dma_start3A_212 : memref<1x1024xf32, #tpu.memory_space<hbm>>) target_semaphore(%arg8 : memref<!tpu.dma_semaphore, #tpu.memory_space<semaphore_mem>>)
    %dma_wait3A = arith.constant 0 : i32
    %dma_wait3A_216 = arith.constant 0 : i32
    %dma_wait3A_217 = tpu.memref_slice %arg7[%dma_wait3A, %dma_wait3A_216] : memref<21x1024xf32, #tpu.memory_space<vmem>> -> memref<1x1024xf32, #tpu.memory_space<vmem>>
    %dma_wait3A_218 = tpu.memref_slice %arg4[%add3A_8, %mul3A_0] : memref<336x2048xf32, #tpu.memory_space<hbm>> -> memref<1x1024xf32, #tpu.memory_space<hbm>>
    %dma_wait3A_219 = tpu.memref_slice %arg4[%add3A_8, %mul3A_0] : memref<336x2048xf32, #tpu.memory_space<hbm>> -> memref<1x1024xf32, #tpu.memory_space<hbm>>
    %dma_wait3A_220 = arith.constant 0 : i32
    %dma_wait3A_221 = arith.constant 0 : i32
    %dma_wait3A_222 = tpu.memref_slice %arg7[%dma_wait3A_220, %dma_wait3A_221] : memref<21x1024xf32, #tpu.memory_space<vmem>> -> memref<1x1024xf32, #tpu.memory_space<vmem>>
    tpu.wait_dma2 semaphore(%arg8 : memref<!tpu.dma_semaphore, #tpu.memory_space<semaphore_mem>>) src(%dma_wait3A_222 : memref<1x1024xf32, #tpu.memory_space<vmem>>) dst(%dma_wait3A_219 : memref<1x1024xf32, #tpu.memory_space<hbm>>)
    %dma_wait3A_223 = arith.constant 1 : i32
    %dma_wait3A_224 = arith.constant 0 : i32
    %dma_wait3A_225 = tpu.memref_slice %arg7[%dma_wait3A_223, %dma_wait3A_224] : memref<21x1024xf32, #tpu.memory_space<vmem>> -> memref<1x1024xf32, #tpu.memory_space<vmem>>
    %dma_wait3A_226 = tpu.memref_slice %arg4[%add3A_17, %mul3A_0] : memref<336x2048xf32, #tpu.memory_space<hbm>> -> memref<1x1024xf32, #tpu.memory_space<hbm>>
    %dma_wait3A_227 = tpu.memref_slice %arg4[%add3A_17, %mul3A_0] : memref<336x2048xf32, #tpu.memory_space<hbm>> -> memref<1x1024xf32, #tpu.memory_space<hbm>>
    %dma_wait3A_228 = arith.constant 1 : i32
    %dma_wait3A_229 = arith.constant 0 : i32
    %dma_wait3A_230 = tpu.memref_slice %arg7[%dma_wait3A_228, %dma_wait3A_229] : memref<21x1024xf32, #tpu.memory_space<vmem>> -> memref<1x1024xf32, #tpu.memory_space<vmem>>
    tpu.wait_dma2 semaphore(%arg8 : memref<!tpu.dma_semaphore, #tpu.memory_space<semaphore_mem>>) src(%dma_wait3A_230 : memref<1x1024xf32, #tpu.memory_space<vmem>>) dst(%dma_wait3A_227 : memref<1x1024xf32, #tpu.memory_space<hbm>>)
    %dma_wait3A_231 = arith.constant 2 : i32
    %dma_wait3A_232 = arith.constant 0 : i32
    %dma_wait3A_233 = tpu.memref_slice %arg7[%dma_wait3A_231, %dma_wait3A_232] : memref<21x1024xf32, #tpu.memory_space<vmem>> -> memref<1x1024xf32, #tpu.memory_space<vmem>>
    %dma_wait3A_234 = tpu.memref_slice %arg4[%add3A_27, %mul3A_0] : memref<336x2048xf32, #tpu.memory_space<hbm>> -> memref<1x1024xf32, #tpu.memory_space<hbm>>
    %dma_wait3A_235 = tpu.memref_slice %arg4[%add3A_27, %mul3A_0] : memref<336x2048xf32, #tpu.memory_space<hbm>> -> memref<1x1024xf32, #tpu.memory_space<hbm>>
    %dma_wait3A_236 = arith.constant 2 : i32
    %dma_wait3A_237 = arith.constant 0 : i32
    %dma_wait3A_238 = tpu.memref_slice %arg7[%dma_wait3A_236, %dma_wait3A_237] : memref<21x1024xf32, #tpu.memory_space<vmem>> -> memref<1x1024xf32, #tpu.memory_space<vmem>>
    tpu.wait_dma2 semaphore(%arg8 : memref<!tpu.dma_semaphore, #tpu.memory_space<semaphore_mem>>) src(%dma_wait3A_238 : memref<1x1024xf32, #tpu.memory_space<vmem>>) dst(%dma_wait3A_235 : memref<1x1024xf32, #tpu.memory_space<hbm>>)
    %dma_wait3A_239 = arith.constant 3 : i32
    %dma_wait3A_240 = arith.constant 0 : i32
    %dma_wait3A_241 = tpu.memref_slice %arg7[%dma_wait3A_239, %dma_wait3A_240] : memref<21x1024xf32, #tpu.memory_space<vmem>> -> memref<1x1024xf32, #tpu.memory_space<vmem>>
    %dma_wait3A_242 = tpu.memref_slice %arg4[%add3A_37, %mul3A_0] : memref<336x2048xf32, #tpu.memory_space<hbm>> -> memref<1x1024xf32, #tpu.memory_space<hbm>>
    %dma_wait3A_243 = tpu.memref_slice %arg4[%add3A_37, %mul3A_0] : memref<336x2048xf32, #tpu.memory_space<hbm>> -> memref<1x1024xf32, #tpu.memory_space<hbm>>
    %dma_wait3A_244 = arith.constant 3 : i32
    %dma_wait3A_245 = arith.constant 0 : i32
    %dma_wait3A_246 = tpu.memref_slice %arg7[%dma_wait3A_244, %dma_wait3A_245] : memref<21x1024xf32, #tpu.memory_space<vmem>> -> memref<1x1024xf32, #tpu.memory_space<vmem>>
    tpu.wait_dma2 semaphore(%arg8 : memref<!tpu.dma_semaphore, #tpu.memory_space<semaphore_mem>>) src(%dma_wait3A_246 : memref<1x1024xf32, #tpu.memory_space<vmem>>) dst(%dma_wait3A_243 : memref<1x1024xf32, #tpu.memory_space<hbm>>)
    %dma_wait3A_247 = arith.constant 4 : i32
    %dma_wait3A_248 = arith.constant 0 : i32
    %dma_wait3A_249 = tpu.memref_slice %arg7[%dma_wait3A_247, %dma_wait3A_248] : memref<21x1024xf32, #tpu.memory_space<vmem>> -> memref<1x1024xf32, #tpu.memory_space<vmem>>
    %dma_wait3A_250 = tpu.memref_slice %arg4[%add3A_47, %mul3A_0] : memref<336x2048xf32, #tpu.memory_space<hbm>> -> memref<1x1024xf32, #tpu.memory_space<hbm>>
    %dma_wait3A_251 = tpu.memref_slice %arg4[%add3A_47, %mul3A_0] : memref<336x2048xf32, #tpu.memory_space<hbm>> -> memref<1x1024xf32, #tpu.memory_space<hbm>>
    %dma_wait3A_252 = arith.constant 4 : i32
    %dma_wait3A_253 = arith.constant 0 : i32
    %dma_wait3A_254 = tpu.memref_slice %arg7[%dma_wait3A_252, %dma_wait3A_253] : memref<21x1024xf32, #tpu.memory_space<vmem>> -> memref<1x1024xf32, #tpu.memory_space<vmem>>
    tpu.wait_dma2 semaphore(%arg8 : memref<!tpu.dma_semaphore, #tpu.memory_space<semaphore_mem>>) src(%dma_wait3A_254 : memref<1x1024xf32, #tpu.memory_space<vmem>>) dst(%dma_wait3A_251 : memref<1x1024xf32, #tpu.memory_space<hbm>>)
    %dma_wait3A_255 = arith.constant 5 : i32
    %dma_wait3A_256 = arith.constant 0 : i32
    %dma_wait3A_257 = tpu.memref_slice %arg7[%dma_wait3A_255, %dma_wait3A_256] : memref<21x1024xf32, #tpu.memory_space<vmem>> -> memref<1x1024xf32, #tpu.memory_space<vmem>>
    %dma_wait3A_258 = tpu.memref_slice %arg4[%add3A_57, %mul3A_0] : memref<336x2048xf32, #tpu.memory_space<hbm>> -> memref<1x1024xf32, #tpu.memory_space<hbm>>
    %dma_wait3A_259 = tpu.memref_slice %arg4[%add3A_57, %mul3A_0] : memref<336x2048xf32, #tpu.memory_space<hbm>> -> memref<1x1024xf32, #tpu.memory_space<hbm>>
    %dma_wait3A_260 = arith.constant 5 : i32
    %dma_wait3A_261 = arith.constant 0 : i32
    %dma_wait3A_262 = tpu.memref_slice %arg7[%dma_wait3A_260, %dma_wait3A_261] : memref<21x1024xf32, #tpu.memory_space<vmem>> -> memref<1x1024xf32, #tpu.memory_space<vmem>>
    tpu.wait_dma2 semaphore(%arg8 : memref<!tpu.dma_semaphore, #tpu.memory_space<semaphore_mem>>) src(%dma_wait3A_262 : memref<1x1024xf32, #tpu.memory_space<vmem>>) dst(%dma_wait3A_259 : memref<1x1024xf32, #tpu.memory_space<hbm>>)
    %dma_wait3A_263 = arith.constant 6 : i32
    %dma_wait3A_264 = arith.constant 0 : i32
    %dma_wait3A_265 = tpu.memref_slice %arg7[%dma_wait3A_263, %dma_wait3A_264] : memref<21x1024xf32, #tpu.memory_space<vmem>> -> memref<1x1024xf32, #tpu.memory_space<vmem>>
    %dma_wait3A_266 = tpu.memref_slice %arg4[%add3A_67, %mul3A_0] : memref<336x2048xf32, #tpu.memory_space<hbm>> -> memref<1x1024xf32, #tpu.memory_space<hbm>>
    %dma_wait3A_267 = tpu.memref_slice %arg4[%add3A_67, %mul3A_0] : memref<336x2048xf32, #tpu.memory_space<hbm>> -> memref<1x1024xf32, #tpu.memory_space<hbm>>
    %dma_wait3A_268 = arith.constant 6 : i32
    %dma_wait3A_269 = arith.constant 0 : i32
    %dma_wait3A_270 = tpu.memref_slice %arg7[%dma_wait3A_268, %dma_wait3A_269] : memref<21x1024xf32, #tpu.memory_space<vmem>> -> memref<1x1024xf32, #tpu.memory_space<vmem>>
    tpu.wait_dma2 semaphore(%arg8 : memref<!tpu.dma_semaphore, #tpu.memory_space<semaphore_mem>>) src(%dma_wait3A_270 : memref<1x1024xf32, #tpu.memory_space<vmem>>) dst(%dma_wait3A_267 : memref<1x1024xf32, #tpu.memory_space<hbm>>)
    %dma_wait3A_271 = arith.constant 7 : i32
    %dma_wait3A_272 = arith.constant 0 : i32
    %dma_wait3A_273 = tpu.memref_slice %arg7[%dma_wait3A_271, %dma_wait3A_272] : memref<21x1024xf32, #tpu.memory_space<vmem>> -> memref<1x1024xf32, #tpu.memory_space<vmem>>
    %dma_wait3A_274 = tpu.memref_slice %arg4[%add3A_77, %mul3A_0] : memref<336x2048xf32, #tpu.memory_space<hbm>> -> memref<1x1024xf32, #tpu.memory_space<hbm>>
    %dma_wait3A_275 = tpu.memref_slice %arg4[%add3A_77, %mul3A_0] : memref<336x2048xf32, #tpu.memory_space<hbm>> -> memref<1x1024xf32, #tpu.memory_space<hbm>>
    %dma_wait3A_276 = arith.constant 7 : i32
    %dma_wait3A_277 = arith.constant 0 : i32
    %dma_wait3A_278 = tpu.memref_slice %arg7[%dma_wait3A_276, %dma_wait3A_277] : memref<21x1024xf32, #tpu.memory_space<vmem>> -> memref<1x1024xf32, #tpu.memory_space<vmem>>
    tpu.wait_dma2 semaphore(%arg8 : memref<!tpu.dma_semaphore, #tpu.memory_space<semaphore_mem>>) src(%dma_wait3A_278 : memref<1x1024xf32, #tpu.memory_space<vmem>>) dst(%dma_wait3A_275 : memref<1x1024xf32, #tpu.memory_space<hbm>>)
    %dma_wait3A_279 = arith.constant 8 : i32
    %dma_wait3A_280 = arith.constant 0 : i32
    %dma_wait3A_281 = tpu.memref_slice %arg7[%dma_wait3A_279, %dma_wait3A_280] : memref<21x1024xf32, #tpu.memory_space<vmem>> -> memref<1x1024xf32, #tpu.memory_space<vmem>>
    %dma_wait3A_282 = tpu.memref_slice %arg4[%add3A_87, %mul3A_0] : memref<336x2048xf32, #tpu.memory_space<hbm>> -> memref<1x1024xf32, #tpu.memory_space<hbm>>
    %dma_wait3A_283 = tpu.memref_slice %arg4[%add3A_87, %mul3A_0] : memref<336x2048xf32, #tpu.memory_space<hbm>> -> memref<1x1024xf32, #tpu.memory_space<hbm>>
    %dma_wait3A_284 = arith.constant 8 : i32
    %dma_wait3A_285 = arith.constant 0 : i32
    %dma_wait3A_286 = tpu.memref_slice %arg7[%dma_wait3A_284, %dma_wait3A_285] : memref<21x1024xf32, #tpu.memory_space<vmem>> -> memref<1x1024xf32, #tpu.memory_space<vmem>>
    tpu.wait_dma2 semaphore(%arg8 : memref<!tpu.dma_semaphore, #tpu.memory_space<semaphore_mem>>) src(%dma_wait3A_286 : memref<1x1024xf32, #tpu.memory_space<vmem>>) dst(%dma_wait3A_283 : memref<1x1024xf32, #tpu.memory_space<hbm>>)
    %dma_wait3A_287 = arith.constant 9 : i32
    %dma_wait3A_288 = arith.constant 0 : i32
    %dma_wait3A_289 = tpu.memref_slice %arg7[%dma_wait3A_287, %dma_wait3A_288] : memref<21x1024xf32, #tpu.memory_space<vmem>> -> memref<1x1024xf32, #tpu.memory_space<vmem>>
    %dma_wait3A_290 = tpu.memref_slice %arg4[%add3A_97, %mul3A_0] : memref<336x2048xf32, #tpu.memory_space<hbm>> -> memref<1x1024xf32, #tpu.memory_space<hbm>>
    %dma_wait3A_291 = tpu.memref_slice %arg4[%add3A_97, %mul3A_0] : memref<336x2048xf32, #tpu.memory_space<hbm>> -> memref<1x1024xf32, #tpu.memory_space<hbm>>
    %dma_wait3A_292 = arith.constant 9 : i32
    %dma_wait3A_293 = arith.constant 0 : i32
    %dma_wait3A_294 = tpu.memref_slice %arg7[%dma_wait3A_292, %dma_wait3A_293] : memref<21x1024xf32, #tpu.memory_space<vmem>> -> memref<1x1024xf32, #tpu.memory_space<vmem>>
    tpu.wait_dma2 semaphore(%arg8 : memref<!tpu.dma_semaphore, #tpu.memory_space<semaphore_mem>>) src(%dma_wait3A_294 : memref<1x1024xf32, #tpu.memory_space<vmem>>) dst(%dma_wait3A_291 : memref<1x1024xf32, #tpu.memory_space<hbm>>)
    %dma_wait3A_295 = arith.constant 10 : i32
    %dma_wait3A_296 = arith.constant 0 : i32
    %dma_wait3A_297 = tpu.memref_slice %arg7[%dma_wait3A_295, %dma_wait3A_296] : memref<21x1024xf32, #tpu.memory_space<vmem>> -> memref<1x1024xf32, #tpu.memory_space<vmem>>
    %dma_wait3A_298 = tpu.memref_slice %arg4[%add3A_107, %mul3A_0] : memref<336x2048xf32, #tpu.memory_space<hbm>> -> memref<1x1024xf32, #tpu.memory_space<hbm>>
    %dma_wait3A_299 = tpu.memref_slice %arg4[%add3A_107, %mul3A_0] : memref<336x2048xf32, #tpu.memory_space<hbm>> -> memref<1x1024xf32, #tpu.memory_space<hbm>>
    %dma_wait3A_300 = arith.constant 10 : i32
    %dma_wait3A_301 = arith.constant 0 : i32
    %dma_wait3A_302 = tpu.memref_slice %arg7[%dma_wait3A_300, %dma_wait3A_301] : memref<21x1024xf32, #tpu.memory_space<vmem>> -> memref<1x1024xf32, #tpu.memory_space<vmem>>
    tpu.wait_dma2 semaphore(%arg8 : memref<!tpu.dma_semaphore, #tpu.memory_space<semaphore_mem>>) src(%dma_wait3A_302 : memref<1x1024xf32, #tpu.memory_space<vmem>>) dst(%dma_wait3A_299 : memref<1x1024xf32, #tpu.memory_space<hbm>>)
    %dma_wait3A_303 = arith.constant 11 : i32
    %dma_wait3A_304 = arith.constant 0 : i32
    %dma_wait3A_305 = tpu.memref_slice %arg7[%dma_wait3A_303, %dma_wait3A_304] : memref<21x1024xf32, #tpu.memory_space<vmem>> -> memref<1x1024xf32, #tpu.memory_space<vmem>>
    %dma_wait3A_306 = tpu.memref_slice %arg4[%add3A_117, %mul3A_0] : memref<336x2048xf32, #tpu.memory_space<hbm>> -> memref<1x1024xf32, #tpu.memory_space<hbm>>
    %dma_wait3A_307 = tpu.memref_slice %arg4[%add3A_117, %mul3A_0] : memref<336x2048xf32, #tpu.memory_space<hbm>> -> memref<1x1024xf32, #tpu.memory_space<hbm>>
    %dma_wait3A_308 = arith.constant 11 : i32
    %dma_wait3A_309 = arith.constant 0 : i32
    %dma_wait3A_310 = tpu.memref_slice %arg7[%dma_wait3A_308, %dma_wait3A_309] : memref<21x1024xf32, #tpu.memory_space<vmem>> -> memref<1x1024xf32, #tpu.memory_space<vmem>>
    tpu.wait_dma2 semaphore(%arg8 : memref<!tpu.dma_semaphore, #tpu.memory_space<semaphore_mem>>) src(%dma_wait3A_310 : memref<1x1024xf32, #tpu.memory_space<vmem>>) dst(%dma_wait3A_307 : memref<1x1024xf32, #tpu.memory_space<hbm>>)
    %dma_wait3A_311 = arith.constant 12 : i32
    %dma_wait3A_312 = arith.constant 0 : i32
    %dma_wait3A_313 = tpu.memref_slice %arg7[%dma_wait3A_311, %dma_wait3A_312] : memref<21x1024xf32, #tpu.memory_space<vmem>> -> memref<1x1024xf32, #tpu.memory_space<vmem>>
    %dma_wait3A_314 = tpu.memref_slice %arg4[%add3A_127, %mul3A_0] : memref<336x2048xf32, #tpu.memory_space<hbm>> -> memref<1x1024xf32, #tpu.memory_space<hbm>>
    %dma_wait3A_315 = tpu.memref_slice %arg4[%add3A_127, %mul3A_0] : memref<336x2048xf32, #tpu.memory_space<hbm>> -> memref<1x1024xf32, #tpu.memory_space<hbm>>
    %dma_wait3A_316 = arith.constant 12 : i32
    %dma_wait3A_317 = arith.constant 0 : i32
    %dma_wait3A_318 = tpu.memref_slice %arg7[%dma_wait3A_316, %dma_wait3A_317] : memref<21x1024xf32, #tpu.memory_space<vmem>> -> memref<1x1024xf32, #tpu.memory_space<vmem>>
    tpu.wait_dma2 semaphore(%arg8 : memref<!tpu.dma_semaphore, #tpu.memory_space<semaphore_mem>>) src(%dma_wait3A_318 : memref<1x1024xf32, #tpu.memory_space<vmem>>) dst(%dma_wait3A_315 : memref<1x1024xf32, #tpu.memory_space<hbm>>)
    %dma_wait3A_319 = arith.constant 13 : i32
    %dma_wait3A_320 = arith.constant 0 : i32
    %dma_wait3A_321 = tpu.memref_slice %arg7[%dma_wait3A_319, %dma_wait3A_320] : memref<21x1024xf32, #tpu.memory_space<vmem>> -> memref<1x1024xf32, #tpu.memory_space<vmem>>
    %dma_wait3A_322 = tpu.memref_slice %arg4[%add3A_137, %mul3A_0] : memref<336x2048xf32, #tpu.memory_space<hbm>> -> memref<1x1024xf32, #tpu.memory_space<hbm>>
    %dma_wait3A_323 = tpu.memref_slice %arg4[%add3A_137, %mul3A_0] : memref<336x2048xf32, #tpu.memory_space<hbm>> -> memref<1x1024xf32, #tpu.memory_space<hbm>>
    %dma_wait3A_324 = arith.constant 13 : i32
    %dma_wait3A_325 = arith.constant 0 : i32
    %dma_wait3A_326 = tpu.memref_slice %arg7[%dma_wait3A_324, %dma_wait3A_325] : memref<21x1024xf32, #tpu.memory_space<vmem>> -> memref<1x1024xf32, #tpu.memory_space<vmem>>
    tpu.wait_dma2 semaphore(%arg8 : memref<!tpu.dma_semaphore, #tpu.memory_space<semaphore_mem>>) src(%dma_wait3A_326 : memref<1x1024xf32, #tpu.memory_space<vmem>>) dst(%dma_wait3A_323 : memref<1x1024xf32, #tpu.memory_space<hbm>>)
    %dma_wait3A_327 = arith.constant 14 : i32
    %dma_wait3A_328 = arith.constant 0 : i32
    %dma_wait3A_329 = tpu.memref_slice %arg7[%dma_wait3A_327, %dma_wait3A_328] : memref<21x1024xf32, #tpu.memory_space<vmem>> -> memref<1x1024xf32, #tpu.memory_space<vmem>>
    %dma_wait3A_330 = tpu.memref_slice %arg4[%add3A_147, %mul3A_0] : memref<336x2048xf32, #tpu.memory_space<hbm>> -> memref<1x1024xf32, #tpu.memory_space<hbm>>
    %dma_wait3A_331 = tpu.memref_slice %arg4[%add3A_147, %mul3A_0] : memref<336x2048xf32, #tpu.memory_space<hbm>> -> memref<1x1024xf32, #tpu.memory_space<hbm>>
    %dma_wait3A_332 = arith.constant 14 : i32
    %dma_wait3A_333 = arith.constant 0 : i32
    %dma_wait3A_334 = tpu.memref_slice %arg7[%dma_wait3A_332, %dma_wait3A_333] : memref<21x1024xf32, #tpu.memory_space<vmem>> -> memref<1x1024xf32, #tpu.memory_space<vmem>>
    tpu.wait_dma2 semaphore(%arg8 : memref<!tpu.dma_semaphore, #tpu.memory_space<semaphore_mem>>) src(%dma_wait3A_334 : memref<1x1024xf32, #tpu.memory_space<vmem>>) dst(%dma_wait3A_331 : memref<1x1024xf32, #tpu.memory_space<hbm>>)
    %dma_wait3A_335 = arith.constant 15 : i32
    %dma_wait3A_336 = arith.constant 0 : i32
    %dma_wait3A_337 = tpu.memref_slice %arg7[%dma_wait3A_335, %dma_wait3A_336] : memref<21x1024xf32, #tpu.memory_space<vmem>> -> memref<1x1024xf32, #tpu.memory_space<vmem>>
    %dma_wait3A_338 = tpu.memref_slice %arg4[%add3A_157, %mul3A_0] : memref<336x2048xf32, #tpu.memory_space<hbm>> -> memref<1x1024xf32, #tpu.memory_space<hbm>>
    %dma_wait3A_339 = tpu.memref_slice %arg4[%add3A_157, %mul3A_0] : memref<336x2048xf32, #tpu.memory_space<hbm>> -> memref<1x1024xf32, #tpu.memory_space<hbm>>
    %dma_wait3A_340 = arith.constant 15 : i32
    %dma_wait3A_341 = arith.constant 0 : i32
    %dma_wait3A_342 = tpu.memref_slice %arg7[%dma_wait3A_340, %dma_wait3A_341] : memref<21x1024xf32, #tpu.memory_space<vmem>> -> memref<1x1024xf32, #tpu.memory_space<vmem>>
    tpu.wait_dma2 semaphore(%arg8 : memref<!tpu.dma_semaphore, #tpu.memory_space<semaphore_mem>>) src(%dma_wait3A_342 : memref<1x1024xf32, #tpu.memory_space<vmem>>) dst(%dma_wait3A_339 : memref<1x1024xf32, #tpu.memory_space<hbm>>)
    %dma_wait3A_343 = arith.constant 16 : i32
    %dma_wait3A_344 = arith.constant 0 : i32
    %dma_wait3A_345 = tpu.memref_slice %arg7[%dma_wait3A_343, %dma_wait3A_344] : memref<21x1024xf32, #tpu.memory_space<vmem>> -> memref<1x1024xf32, #tpu.memory_space<vmem>>
    %dma_wait3A_346 = tpu.memref_slice %arg4[%add3A_167, %mul3A_0] : memref<336x2048xf32, #tpu.memory_space<hbm>> -> memref<1x1024xf32, #tpu.memory_space<hbm>>
    %dma_wait3A_347 = tpu.memref_slice %arg4[%add3A_167, %mul3A_0] : memref<336x2048xf32, #tpu.memory_space<hbm>> -> memref<1x1024xf32, #tpu.memory_space<hbm>>
    %dma_wait3A_348 = arith.constant 16 : i32
    %dma_wait3A_349 = arith.constant 0 : i32
    %dma_wait3A_350 = tpu.memref_slice %arg7[%dma_wait3A_348, %dma_wait3A_349] : memref<21x1024xf32, #tpu.memory_space<vmem>> -> memref<1x1024xf32, #tpu.memory_space<vmem>>
    tpu.wait_dma2 semaphore(%arg8 : memref<!tpu.dma_semaphore, #tpu.memory_space<semaphore_mem>>) src(%dma_wait3A_350 : memref<1x1024xf32, #tpu.memory_space<vmem>>) dst(%dma_wait3A_347 : memref<1x1024xf32, #tpu.memory_space<hbm>>)
    %dma_wait3A_351 = arith.constant 17 : i32
    %dma_wait3A_352 = arith.constant 0 : i32
    %dma_wait3A_353 = tpu.memref_slice %arg7[%dma_wait3A_351, %dma_wait3A_352] : memref<21x1024xf32, #tpu.memory_space<vmem>> -> memref<1x1024xf32, #tpu.memory_space<vmem>>
    %dma_wait3A_354 = tpu.memref_slice %arg4[%add3A_177, %mul3A_0] : memref<336x2048xf32, #tpu.memory_space<hbm>> -> memref<1x1024xf32, #tpu.memory_space<hbm>>
    %dma_wait3A_355 = tpu.memref_slice %arg4[%add3A_177, %mul3A_0] : memref<336x2048xf32, #tpu.memory_space<hbm>> -> memref<1x1024xf32, #tpu.memory_space<hbm>>
    %dma_wait3A_356 = arith.constant 17 : i32
    %dma_wait3A_357 = arith.constant 0 : i32
    %dma_wait3A_358 = tpu.memref_slice %arg7[%dma_wait3A_356, %dma_wait3A_357] : memref<21x1024xf32, #tpu.memory_space<vmem>> -> memref<1x1024xf32, #tpu.memory_space<vmem>>
    tpu.wait_dma2 semaphore(%arg8 : memref<!tpu.dma_semaphore, #tpu.memory_space<semaphore_mem>>) src(%dma_wait3A_358 : memref<1x1024xf32, #tpu.memory_space<vmem>>) dst(%dma_wait3A_355 : memref<1x1024xf32, #tpu.memory_space<hbm>>)
    %dma_wait3A_359 = arith.constant 18 : i32
    %dma_wait3A_360 = arith.constant 0 : i32
    %dma_wait3A_361 = tpu.memref_slice %arg7[%dma_wait3A_359, %dma_wait3A_360] : memref<21x1024xf32, #tpu.memory_space<vmem>> -> memref<1x1024xf32, #tpu.memory_space<vmem>>
    %dma_wait3A_362 = tpu.memref_slice %arg4[%add3A_187, %mul3A_0] : memref<336x2048xf32, #tpu.memory_space<hbm>> -> memref<1x1024xf32, #tpu.memory_space<hbm>>
    %dma_wait3A_363 = tpu.memref_slice %arg4[%add3A_187, %mul3A_0] : memref<336x2048xf32, #tpu.memory_space<hbm>> -> memref<1x1024xf32, #tpu.memory_space<hbm>>
    %dma_wait3A_364 = arith.constant 18 : i32
    %dma_wait3A_365 = arith.constant 0 : i32
    %dma_wait3A_366 = tpu.memref_slice %arg7[%dma_wait3A_364, %dma_wait3A_365] : memref<21x1024xf32, #tpu.memory_space<vmem>> -> memref<1x1024xf32, #tpu.memory_space<vmem>>
    tpu.wait_dma2 semaphore(%arg8 : memref<!tpu.dma_semaphore, #tpu.memory_space<semaphore_mem>>) src(%dma_wait3A_366 : memref<1x1024xf32, #tpu.memory_space<vmem>>) dst(%dma_wait3A_363 : memref<1x1024xf32, #tpu.memory_space<hbm>>)
    %dma_wait3A_367 = arith.constant 19 : i32
    %dma_wait3A_368 = arith.constant 0 : i32
    %dma_wait3A_369 = tpu.memref_slice %arg7[%dma_wait3A_367, %dma_wait3A_368] : memref<21x1024xf32, #tpu.memory_space<vmem>> -> memref<1x1024xf32, #tpu.memory_space<vmem>>
    %dma_wait3A_370 = tpu.memref_slice %arg4[%add3A_197, %mul3A_0] : memref<336x2048xf32, #tpu.memory_space<hbm>> -> memref<1x1024xf32, #tpu.memory_space<hbm>>
    %dma_wait3A_371 = tpu.memref_slice %arg4[%add3A_197, %mul3A_0] : memref<336x2048xf32, #tpu.memory_space<hbm>> -> memref<1x1024xf32, #tpu.memory_space<hbm>>
    %dma_wait3A_372 = arith.constant 19 : i32
    %dma_wait3A_373 = arith.constant 0 : i32
    %dma_wait3A_374 = tpu.memref_slice %arg7[%dma_wait3A_372, %dma_wait3A_373] : memref<21x1024xf32, #tpu.memory_space<vmem>> -> memref<1x1024xf32, #tpu.memory_space<vmem>>
    tpu.wait_dma2 semaphore(%arg8 : memref<!tpu.dma_semaphore, #tpu.memory_space<semaphore_mem>>) src(%dma_wait3A_374 : memref<1x1024xf32, #tpu.memory_space<vmem>>) dst(%dma_wait3A_371 : memref<1x1024xf32, #tpu.memory_space<hbm>>)
    %dma_wait3A_375 = arith.constant 20 : i32
    %dma_wait3A_376 = arith.constant 0 : i32
    %dma_wait3A_377 = tpu.memref_slice %arg7[%dma_wait3A_375, %dma_wait3A_376] : memref<21x1024xf32, #tpu.memory_space<vmem>> -> memref<1x1024xf32, #tpu.memory_space<vmem>>
    %dma_wait3A_378 = tpu.memref_slice %arg4[%add3A_207, %mul3A_0] : memref<336x2048xf32, #tpu.memory_space<hbm>> -> memref<1x1024xf32, #tpu.memory_space<hbm>>
    %dma_wait3A_379 = tpu.memref_slice %arg4[%add3A_207, %mul3A_0] : memref<336x2048xf32, #tpu.memory_space<hbm>> -> memref<1x1024xf32, #tpu.memory_space<hbm>>
    %dma_wait3A_380 = arith.constant 20 : i32
    %dma_wait3A_381 = arith.constant 0 : i32
    %dma_wait3A_382 = tpu.memref_slice %arg7[%dma_wait3A_380, %dma_wait3A_381] : memref<21x1024xf32, #tpu.memory_space<vmem>> -> memref<1x1024xf32, #tpu.memory_space<vmem>>
    tpu.wait_dma2 semaphore(%arg8 : memref<!tpu.dma_semaphore, #tpu.memory_space<semaphore_mem>>) src(%dma_wait3A_382 : memref<1x1024xf32, #tpu.memory_space<vmem>>) dst(%dma_wait3A_379 : memref<1x1024xf32, #tpu.memory_space<hbm>>)
    return
  }
}

</mosaic_0001>

<sc_bundles>
// kernel: kernel.3.cloned.1.call-start
scs
__scs_entry_jumppad:
0x0: {  	(pc) =	sbr.rel $0x88, $3  }
0x1: {  	(tag) =	ssettag $0x0;
	lr =	simm.s32 $0x1  }
0x2: {  	[smem:$0x3F9F] =	sst lr;
	_ =	strace $0xD0000000  }
0x3: {  	_ = 	snop  }
0x4: {  	_ = 	snop  }
0x5: {  	_ = 	snop  }
0x6: {  	_ = 	snop  }
0x7: {  	_ = 	snop  }
__scs_overlays_trampoline_lowered:
0x8: {  	[smem:$0x3FAE] =	sst s0  }
0x9: {  	[smem:$0x3FAF] =	sst s1  }
0xa: {  	[smem:$0x3FB0] =	sst s2  }
0xb: {  	[smem:$0x3FB1] =	sst s3  }
0xc: {  	[smem:$0x3FB2] =	sst s4  }
0xd: {  	[smem:$0x3FB3] =	sst s5  }
0xe: {  	[smem:$0x3FB4] =	sst s6  }
0xf: {  	[smem:$0x3FB5] =	sst s7  }
0x10: {  	[smem:$0x3FB6] =	sst s8  }
0x11: {  	[smem:$0x3FB7] =	sst s9;
	s0 =	simm.s32 @!p0 $0x0  }
0x12: {  	s1 =	sld [smem:$0x3F9D];
	s0 =	simm.s32 @p0 $0x1  }
0x13: {  	[smem:$0x3FB8] =	sst s0;
	s0 =	simm.s32 @!p1 $0x0  }
0x14: {  	s2 =	sld [smem:$0x3F9C];
	s0 =	simm.s32 @p1 $0x1  }
0x15: {  	[smem:$0x3FB9] =	sst s0;
	s0 =	simm.s32 @!p2 $0x0  }
0x16: {  	s3 =	sld [smem:$0x3FDB];
	s0 =	simm.s32 @p2 $0x1  }
0x17: {  	s4 =	simm.s32 $0x1BF5;
	[smem:$0x3FBB] =	sst s0  }
0x18: {  	s0 =	sld [smem:$0x3F9E];
	_ =	swait.ge [sflag:s4], $0x0  }
0x19: {  	s7 =	sld [smem:$0x3F9F]  }
0x1a: {  	s8 =	sadd.s32 $0xFFFFE003, lr  }
0x1b: {  	s9 =	sadd.s32 $0xFFFFFEF7, lr;
	s5 =	simm.s32 $0xFFFFFFFF;
	p2 =	slt.u32 s8, $0xFFFFF086  }
0x1c: {  	p1 =	slt.u32 s9, $0xF7A;
	s5 =	simm.s32 @!p2 $0x0  }
0x1d: {  	s5 =	simm.s32 @p1 $0x1;
	p0 =	seq.s32 s7, s2  }
0x1e: {  	s7 =	smul.u32 @!p0 $0xF7A, s2;
	p2 =	seq.s32 @!p0 s5, $0x0  }
0x1f: {  	s9 =	smul.u32 $0xF7A, s1;
	s8 =	simm.s32 @!p0 $0x1BF5;
	p2 =	por !p2, p0  }
0x20: {  	[sflag:s8] =	ssyncset.s32 @!p0 $0xFFFFF086;
	s6 =	sadd.s32 @!p0 s3, s7;
	s7 =	simm.s32 @!p0 $0x108  }
0x21: {  	s3 =	sadd.s32 s3, s9;
	s6 =	sadd.s32 @!p0 $0x88, s6;
	s7 =	simm.s32 @p2 $0x1082  }
0x22: {  	[simem:s7], [sflag:s8] =	dma.local @!p0 [hbm:s6], $0xF7A  }
0x23: {  	s9 =	sor.u32 $0xD0000000, s2;
	s6 =	simm.s32 $0x108;
	_ =	swait.ge @!p0 [sflag:s8], $0x0  }
0x24: {  	s3 =	sadd.s32 $0x88, s3;
	s6 =	simm.s32 @!p1 $0x1082;
	[sflag:s4] =	ssyncset.s32 $0xFFFFF086  }
0x25: {  	[simem:s6], [sflag:s4] =	dma.local [hbm:s3], $0xF7A  }
0x26: {  	[smem:$0x3F9F] =	sst s1;
	(tag) =	ssettag s2;
	_ =	strace s9  }
0x27: {  	s1 =	sld [smem:$0x3FAF]  }
0x28: {  	s2 =	sld [smem:$0x3FB0]  }
0x29: {  	s4 =	sld [smem:$0x3FB2]  }
0x2a: {  	p0 =	seq.s32 s5, $0x0;
	s5 =	sld [smem:$0x3FB3]  }
0x2b: {  	s6 =	sld [smem:$0x3FB4]  }
0x2c: {  	s7 =	sld [smem:$0x3FB5]  }
0x2d: {  	s3 =	simm.s32 $0x108;
	s8 =	sld [smem:$0x3FB6]  }
0x2e: {  	s3 =	simm.s32 @!p0 $0x1082;
	s9 =	sld [smem:$0x3FB7]  }
0x2f: {  	lr =	sadd.s32 s0, s3;
	s0 =	sld [smem:$0x3FAE]  }
0x30: {  	s3 =	sld [smem:$0x3FB1]  }
0x31: {  	[smem:$0x3FBA] =	sst s10  }
0x32: {  	s10 =	sld [smem:$0x3FB8];
	_ =	sdelay $0x3  }
0x33: {  	p0 =	seq.s32 s10, $0x1;
	s10 =	sld [smem:$0x3FBA];
	_ =	sdelay $0x3  }
0x34: {  	[smem:$0x3FBA] =	sst s10  }
0x35: {  	s10 =	sld [smem:$0x3FB9];
	_ =	sdelay $0x3  }
0x36: {  	p1 =	seq.s32 s10, $0x1;
	s10 =	sld [smem:$0x3FBA];
	_ =	sdelay $0x3  }
0x37: {  	[smem:$0x3FBA] =	sst s10  }
0x38: {  	s10 =	sld [smem:$0x3FBB]  }
0x39: {  	_ = 	snop;
	(pc) =	sbr.ind lr, $3  }
0x3a: {  	_ = 	snop  }
0x3b: {  	_ = 	snop  }
0x3c: {  	p2 =	seq.s32 s10, $0x1;
	s10 =	sld [smem:$0x3FBA]  }
0x3d: {  	_ =	shalt  }
0x3e: {  	_ =	shalt  }
0x3f: {  	_ =	shalt  }
0x40: {  	_ =	shalt  }
0x41: {  	_ =	shalt  }
0x42: {  	_ =	shalt  }
0x43: {  	_ =	shalt  }
0x44: {  	_ =	shalt  }
0x45: {  	_ =	shalt  }
0x46: {  	_ =	shalt  }
0x47: {  	_ =	shalt  }
0x48: {  	_ =	shalt  }
0x49: {  	_ =	shalt  }
0x4a: {  	_ =	shalt  }
0x4b: {  	_ =	shalt  }
0x4c: {  	_ =	shalt  }
0x4d: {  	_ =	shalt  }
0x4e: {  	_ =	shalt  }
0x4f: {  	_ =	shalt  }
0x50: {  	_ =	shalt  }
0x51: {  	_ =	shalt  }
0x52: {  	_ =	shalt  }
0x53: {  	_ =	shalt  }
0x54: {  	_ =	shalt  }
0x55: {  	_ =	shalt  }
0x56: {  	_ =	shalt  }
0x57: {  	_ =	shalt  }
0x58: {  	_ =	shalt  }
0x59: {  	_ =	shalt  }
0x5a: {  	_ =	shalt  }
0x5b: {  	_ =	shalt  }
0x5c: {  	_ =	shalt  }
0x5d: {  	_ =	shalt  }
0x5e: {  	_ =	shalt  }
0x5f: {  	_ =	shalt  }
0x60: {  	_ =	shalt  }
0x61: {  	_ =	shalt  }
0x62: {  	_ =	shalt  }
0x63: {  	_ =	shalt  }
0x64: {  	_ =	shalt  }
0x65: {  	_ =	shalt  }
0x66: {  	_ =	shalt  }
0x67: {  	_ =	shalt  }
0x68: {  	_ =	shalt  }
0x69: {  	_ =	shalt  }
0x6a: {  	_ =	shalt  }
0x6b: {  	_ =	shalt  }
0x6c: {  	_ =	shalt  }
0x6d: {  	_ =	shalt  }
0x6e: {  	_ =	shalt  }
0x6f: {  	_ =	shalt  }
0x70: {  	_ =	shalt  }
0x71: {  	_ =	shalt  }
0x72: {  	_ =	shalt  }
0x73: {  	_ =	shalt  }
0x74: {  	_ =	shalt  }
0x75: {  	_ =	shalt  }
0x76: {  	_ =	shalt  }
0x77: {  	_ =	shalt  }
0x78: {  	_ =	shalt  }
0x79: {  	_ =	shalt  }
0x7a: {  	_ =	shalt  }
0x7b: {  	_ =	shalt  }
0x7c: {  	_ =	shalt  }
0x7d: {  	_ =	shalt  }
0x7e: {  	_ =	shalt  }
0x7f: {  	_ =	shalt  }
0x80: {  	_ =	shalt  }
0x81: {  	_ =	shalt  }
0x82: {  	_ =	shalt  }
0x83: {  	_ =	shalt  }
0x84: {  	_ =	shalt  }
0x85: {  	_ =	shalt  }
0x86: {  	_ =	shalt  }
0x87: {  	_ =	shalt  }
.Lfunc_end0:
.L_simem_size_0:
called_computation_lowered:
.L_overlay_start_0:
0x88: {  	s2 =	sld [smem:$0x3FD9]  }
0x89: {  	s3 =	sld [smem:$0x3FFE];
	_ =	sdelay $0x1  }
0x8a: {  	s1 =	srdreg.scid  }
0x8b: {  	s0 =	sand.u32 $0x1, s1  }
0x8c: {  	s17 =	sshll.u32 s0, $0xA;
	s2 =	sadd.s32 s3, s2  }
0x8d: {  	s2 =	sadd.s32 s2, s17  }
0x8e: {  	[smem:$0x3FC6] =	sst s2  }
0x8f: {  	_ = 	snop  }
0x90: {  	s2 =	sld [smem:$0x3FC9]  }
0x91: {  	s18 =	sld [smem:$0x3FD0];
	(tm) =	ssettm $0x1  }
0x92: {  	s4 =	sld [smem:$0x3FFB];
	_ =	sdelay $0x3  }
0x93: {  	_ =	strace s4  }
0x94: {  	s4 =	sld [smem:$0x3FFC];
	_ =	sdelay $0x3  }
0x95: {  	_ =	strace s4  }
0x96: {  	s4 =	sld [smem:$0x3FFD];
	_ =	sdelay $0x3  }
0x97: {  	_ =	strace s4  }
0x98: {  	_ =	strace $0x8FFFFFFF  }
0x99: {  	s19 =	sld [smem:$0x3FDB];
	_ =	sdelay $0x1  }
0x9a: {  	s5 =	simm.s32 $_scs_section_size  }
0x9b: {  	s6 =	simm.s32 $_size__tile_overlayer_lowered;
	s7 =	simm.s32 $_tile_overlayer_lowered  }
0x9c: {  	s22 =	simm.s32 $0x1BFF;
	s21 =	sshll.u32 s7, $0x1;
	s4 =	sadd.s32 s5, s19  }
0x9d: {  	s8 =	simm.s32 $0x0;
	s20 =	sshll.u32 s6, $0x1;
	s6 =	sadd.s32 s21, s4  }
0x9e: {  	[timem:s8], [sflag:s22] =	dma.local [hbm:s6], s20  }
0x9f: {  	_ =	swait.ge [sflag:s22], s20  }
0xa0: {  	s5 =	ssub.s32 $0x0, s20;
	[sflag:s22] =	ssyncset.done $0x0  }
0xa1: {  	[sflag:s22] =	ssyncadd.s32 s5;
	_ =	sdelay $0x1  }
0xa2: {  	s23 =	simm.s32 $0x1B8B  }
0xa3: {  	_ =	swait.ge [sflag:s23], $0x1  }
0xa4: {  	[sflag:s23] =	ssyncset.done $0x0  }
0xa5: {  	s25 =	simm.s32 $0x1B8E;
	s24 =	sld [smem:$0x3FFE];
	[sflag:s23] =	ssyncadd.s32 $0xFFFFFFFF  }
0xa6: {  	s26 =	simm.s32 $execute0_lowered;
	[smem:$0x3FD2] =	sst s25  }
0xa7: {  	s6 =	sshll.u32 s26, $0x1;
	_ =	strace $0x80000046;
	[dreg:$0x1] =	wrdreg $0xFFFFFFFF  }
0xa8: {  	s28 =	simm.s32 $_size_execute0_lowered;
	s4 =	sadd.s32 s4, s6;
	[dreg:$0x0] =	wrdreg $0x0  }
0xa9: {  	s6 =	sshll.u32 s28, $0x1;
	[dreg:$0x2] =	wrdreg s4  }
0xaa: {  	[dreg:$0x3] =	wrdreg s6  }
0xab: {  	[dreg:$0x4] =	wrdreg $0xC0  }
0xac: {  	_ =	task [dreg:s8], $0x5FFFF  }
0xad: {  	[dreg:$0x1] =	wrdreg $0xFFFFFFFF  }
0xae: {  	[dreg:$0x0] =	wrdreg $0x60  }
0xaf: {  	[dreg:$0x2] =	wrdreg s2  }
0xb0: {  	[dreg:$0x3] =	wrdreg s24  }
0xb1: {  	[dreg:$0x4] =	wrdreg s18  }
0xb2: {  	[dreg:$0x5] =	wrdreg $0x9  }
0xb3: {  	_ =	task.clear_ibuf [dreg:s8], $0x6FFFF;
	_ =	strace $0x90000046  }
0xb4: {  	s29 =	simm.s32 $0x9;
	_ =	strace $0x80000048  }
0xb5: {  	_ =	swait.ge [sflag:s29], $0x1  }
0xb6: {  	[sflag:s29] =	ssyncadd.s32 $0xFFFFFFFF  }
0xb7: {  	_ =	strace $0x90000048  }
0xb8: {  	_ =	sfence  }
0xb9: {  	s30 =	sld [smem:$0x0];
	_ =	sdelay $0x2  }
0xba: {  	s31 =	sshll.u32 s1, $0xD;
	s1 =	sshrl.u32 s1, $0x2  }
0xbb: {  	s3 =	sand.u32 $0x4000, s31;
	s1 =	sadd.s32 s1, s30  }
0xbc: {  	s0 =	sor.u32 s3, s0;
	s1 =	sshll.u32 s1, $0x11  }
0xbd: {  	s0 =	sor.u32 s1, s0  }
0xbe: {  	s0 =	sadd.s32 $0x8F2B, s0  }
0xbf: {  	[sflag:s0] =	ssyncadd.remote.s32 $0x1  }
0xc0: {  	_ =	sfence.sel $0xFFFF  }
0xc1: {  	[dreg:$0x0] =	wrdreg $0xFFFFFFFF;
	(pc) =	sbr.abs _section_cstart, $3  }
0xc2: {  	[dreg:$0x1] =	wrdreg $0xFFFFFFFF  }
0xc3: {  	_ =	task.clear_ibuf [dreg:s8], $0x2FFFF;
	_ =	strace $0x9FFFFFFF  }
0xc4: {  	(tm) =	ssettm $0x7FFFFFFF  }
0xc5: {  	_ =	shalt  }
tec
execute0_lowered:
.L_overlay_start_1:
0x0: {  	(tag) =	ssettag $0x1  }
0x1: {  	s0 =	rddreg [dreg:$0x0]  }
0x2: {  	s1 =	rddreg [dreg:$0x1]  }
0x3: {  	s4 =	rddreg [dreg:$0x2];
	s8 =	stileid.u32;
	s2 =	simm.s32 $0x0  }
0x4: {  	s7 =	srdreg.scid;
	s3 =	sshrl.u32 s8, $0x3;
	s5 =	sshll.u32 s8, $0x7  }
0x5: {  	[smem:$0x7FF] =	sst s2;
	s7 =	sand.u32 $0x1, s7;
	s8 =	sshll.u32 s8, $0xB  }
0x6: {  	s5 =	sand.u32 $0x380, s5;
	s6 =	sshll.u32 s3, $0xA;
	_ =	strace $0x80000047  }
0x7: {  	s23 =	ssub.s32 $0x2, s7;
	s9 =	sshll.u32 s7, $0xD;
	s3 =	sshll.u32 s3, $0xE  }
0x8: {  	s8 =	sand.u32 $0x4000, s8;
	s6 =	sor.u32 s5, s6;
	s10 =	sshrl.u32 s23, $0x1  }
0x9: {  	s3 =	sor.u32 s9, s3;
	s8 =	sor.u32 s9, s8;
	s6 =	sshrl.u32 s6, $0x3  }
0xa: {  	s28 =	ssub.s32 s23, s10;
	s24 =	sor.u32 s5, s3;
	s5 =	sor.u32 s5, s8  }
0xb: {  	s1 =	sadd.s32 s6, s1;
	s6 =	sshrl.u32 s24, $0x3;
	s31 =	smax.u32 s28, $0x1  }
0xc: {  	s3 =	sshll.u32 s7, $0xA;
	s0 =	sadd.s32 s0, s6;
	[dreg:$0x8] =	wrdreg s31  }
0xd: {  	s5 =	sshrl.u32 s5, $0x3;
	s25 =	sadd.s32 $0x400, s1;
	[dreg:$0x4] =	wrdreg s0  }
0xe: {  	s26 =	sadd.s32 s5, s4;
	s29 =	sadd.s32 s4, s6;
	[dreg:$0x5] =	wrdreg s25  }
0xf: {  	s1 =	simm.s32 $0x0;
	[dreg:$0x6] =	wrdreg s29;
	s30 =	sadd.s32 $0x1000, s26  }
0x10: {  	s8 =	sadd.s32 $0x2000, s26;
	s9 =	sadd.s32 $0x3000, s26;
	s10 =	sadd.s32 $0x4000, s26  }
0x11: {  	s11 =	sadd.s32 $0x5000, s26;
	s12 =	sadd.s32 $0x6000, s26;
	s13 =	sadd.s32 $0x7000, s26  }
0x12: {  	s14 =	sadd.s32 $0x8000, s26;
	s15 =	sadd.s32 $0x9000, s26;
	s16 =	sadd.s32 $0xA000, s26  }
0x13: {  	s17 =	sadd.s32 $0xB000, s26;
	s18 =	sadd.s32 $0xC000, s26;
	s19 =	sadd.s32 $0xD000, s26  }
0x14: {  	s20 =	sadd.s32 $0xE000, s26;
	s21 =	sadd.s32 $0xF000, s26;
	s22 =	sadd.s32 $0x10000, s26  }
0x15: {  	s23 =	sadd.s32 $0x11000, s26;
	s24 =	sadd.s32 $0x12000, s26;
	s25 =	sadd.s32 $0x13000, s26  }
0x16: {  	v0 =	vlaneseq.u32;
	v1 =	vimm.f32 $0.0e+00;
	s26 =	sadd.s32 $0x14000, s26;
	s0 =	simm.s32 $0x1;
	[dreg:$0x7] =	wrdreg s30  }
.LBB2_1:
0x17: {  	s4 =	rddreg [dreg:$0x4]  }
0x18: {  	s5 =	simm.s32 $0x80;
	s6 =	simm.s32 $0x400;
	s7 =	simm.s32 $0x2  }
0x19: {  	[tilespmem:s2], [sflag:$0x2] =	stream.strided.gather [hbm4b:s4+s5], $0x400, s6, s5, $0x38;
	[tilespmem:$0x6480] =	vst v63  }
0x1a: {  	_ =	swait.ge [sflag:s7], $0x400  }
0x1b: {  	[sflag:s7] =	ssyncset.done $0x0  }
0x1c: {  	s31 =	rddreg [dreg:$0x5];
	[sflag:s7] =	ssyncadd.s32 $0xFFFFFC00  }
0x1d: {  	[tilespmem:s6], [sflag:$0x2] =	stream.linear.gather [hbm4b:s31+s2], $0x80, $0x38;
	[tilespmem:$0x6480] =	vst v63  }
0x1e: {  	_ =	swait.ge [sflag:s7], $0x80  }
0x1f: {  	[sflag:s7] =	ssyncset.done $0x0  }
0x20: {  	[sflag:s7] =	ssyncadd.s32 $0xFFFFFF80  }
0x21: {  	v2 =	vld [tilespmem:$0x400]  }
0x22: {  	v3 =	vld [tilespmem:s2+$0x0];
	_ =	sdelay $0x1  }
0x23: {  	s6 =	sadd.s32 $0x0, s3  }
0x24: {  	v4 =	vor.u32 s6, v0  }
0x25: {  	vm0 =	vlt.s32 v4, v2  }
0x26: {  	v3 =	vnsel vm0, $0x15, v3  }
0x27: {  	s31 =	sand.u32 $0x1C00, s2;
	s7 =	sand.u32 $0x70, s2;
	vm0 =	veq.s32 v3, $0x0;
	vm1 =	veq.s32 v3, $0x1;
	vm2 =	veq.s32 v3, $0x6  }
0x28: {  	s29 =	sor.u32 s7, s31;
	v4 =	vsel vm0, $0x3F800000, v1;
	v5 =	vsel vm1, $0x3F800000, v1;
	vm0 =	veq.s32 v3, $0x3  }
0x29: {  	s30 =	simm.s32 $0x0;
	vm1 =	veq.s32 v3, $0x2;
	[tilespmem:s29+$0x480] =	vst v4;
	v6 =	vsel vm0, $0x3F800000, v1;
	v4 =	vsel vm2, $0x3F800000, v1  }
0x2a: {  	s28 =	simm.s32 $0x0;
	s4 =	sor.u32 s2, s2;
	s5 =	simm.s32 $0x10;
	[tilespmem:s29+$0x500] =	vst v5;
	v5 =	vsel vm1, $0x3F800000, v1;
	vm1 =	veq.s32 v3, $0x4;
	vm0 =	veq.s32 v3, $0x5  }
.LBB2_2:
0x2b: {  	p0 =	sne.s32 s5, $0x3F0;
	[tilespmem:s29+$0x600] =	vst v6;
	v6 =	vsel vm1, $0x3F800000, v1;
	v7 =	vsel vm0, $0x3F800000, v1;
	vm1 =	veq.s32 v3, $0x7;
	s30 =	sadd.s32 $0x80, s30;
	s28 =	sadd.s32 $0x10, s28  }
0x2c: {  	vm2 =	veq.s32 v3, $0x8;
	vm6 =	veq.s32 v3, $0xA;
	vm7 =	veq.s32 v3, $0x14;
	s31 =	smov.u32 s5;
	s6 =	sor.u32 s30, s5;
	[tilespmem:s29+$0x580] =	vst v5;
	s5 =	sadd.s32 $0x10, s5  }
0x2d: {  	vm8 =	veq.s32 v3, $0x9;
	vm5 =	veq.s32 v3, $0x12;
	vm9 =	veq.s32 v3, $0x13;
	[tilespmem:s29+$0x780] =	vst v4  }
0x2e: {  	vm0 =	veq.s32 v3, $0xF;
	vm4 =	veq.s32 v3, $0x10;
	vm10 =	veq.s32 v3, $0x11;
	[tilespmem:s29+$0x680] =	vst v6  }
0x2f: {  	s7 =	sor.u32 $0x380, s4;
	vm11 =	veq.s32 v3, $0xE;
	v4 =	vsel vm1, $0x3F800000, v1;
	vm1 =	veq.s32 v3, $0xD;
	s4 =	smov.u32 s6;
	[tilespmem:s29+$0x700] =	vst v7  }
0x30: {  	vm3 =	veq.s32 v3, $0xC;
	[tilespmem:s7+$0x480] =	vst v4;
	v4 =	vsel vm2, $0x3F800000, v1;
	vm2 =	veq.s32 v3, $0xB  }
0x31: {  	v3 =	vsel vm7, $0x3F800000, v1;
	[tilespmem:s29+$0x2480] =	vst v4  }
0x32: {  	v4 =	vsel vm6, $0x3F800000, v1;
	[tilespmem:s29+$0x4680] =	vst v3  }
0x33: {  	v3 =	vsel vm9, $0x3F800000, v1;
	[tilespmem:s29+$0x2580] =	vst v4  }
0x34: {  	v4 =	vsel vm8, $0x3F800000, v1;
	[tilespmem:s29+$0x4600] =	vst v3  }
0x35: {  	v3 =	vsel vm5, $0x3F800000, v1;
	[tilespmem:s29+$0x2500] =	vst v4  }
0x36: {  	v4 =	vsel vm10, $0x3F800000, v1;
	[tilespmem:s29+$0x4580] =	vst v3  }
0x37: {  	v3 =	vsel vm4, $0x3F800000, v1;
	[tilespmem:s29+$0x4500] =	vst v4  }
0x38: {  	v4 =	vsel vm0, $0x3F800000, v1;
	[tilespmem:s29+$0x4480] =	vst v3  }
0x39: {  	v3 =	vsel vm11, $0x3F800000, v1;
	[tilespmem:s29+$0x2800] =	vst v4  }
0x3a: {  	v4 =	vsel vm1, $0x3F800000, v1;
	[tilespmem:s29+$0x2780] =	vst v3  }
0x3b: {  	v5 =	vsel vm3, $0x3F800000, v1;
	v3 =	vsel vm2, $0x3F800000, v1;
	[tilespmem:s29+$0x2700] =	vst v4  }
0x3c: {  	[tilespmem:s29+$0x2680] =	vst v5  }
0x3d: {  	[tilespmem:s29+$0x2600] =	vst v3  }
0x3e: {  	v3 =	vld [tilespmem:s28+$0x0];
	_ =	sdelay $0x1  }
0x3f: {  	s6 =	sadd.s32 s31, s3  }
0x40: {  	v4 =	vor.u32 s6, v0  }
0x41: {  	vm0 =	vlt.s32 v4, v2  }
.Ltmp0:
0x42: {  	v3 =	vnsel vm0, $0x15, v3;
	(pc) =	sbr.rel @p0 .LBB2_2-.Ltmp0, $4  }
0x43: {  	s7 =	sand.u32 $0x1C00, s30;
	s6 =	sand.u32 $0x70, s31;
	vm0 =	veq.s32 v3, $0x0;
	vm1 =	veq.s32 v3, $0x1;
	vm2 =	veq.s32 v3, $0x6  }
0x44: {  	s29 =	sor.u32 s6, s7;
	v4 =	vsel vm0, $0x3F800000, v1;
	v5 =	vsel vm1, $0x3F800000, v1;
	vm0 =	veq.s32 v3, $0x3  }
0x45: {  	vm1 =	veq.s32 v3, $0x2;
	[tilespmem:s29+$0x480] =	vst v4;
	v6 =	vsel vm0, $0x3F800000, v1;
	v4 =	vsel vm2, $0x3F800000, v1  }
0x46: {  	vm0 =	veq.s32 v3, $0x5;
	[tilespmem:s29+$0x500] =	vst v5;
	v5 =	vsel vm1, $0x3F800000, v1;
	vm1 =	veq.s32 v3, $0x4  }
0x47: {  	[tilespmem:s29+$0x600] =	vst v6  }
0x48: {  	[tilespmem:s29+$0x580] =	vst v5  }
0x49: {  	v2 =	vsel vm1, $0x3F800000, v1;
	[tilespmem:s29+$0x780] =	vst v4  }
0x4a: {  	v58 =	vsel vm0, $0x3F800000, v1;
	vm14 =	veq.s32 v3, $0x7;
	[tilespmem:s29+$0x680] =	vst v2  }
0x4b: {  	vm15 =	veq.s32 v3, $0x8;
	s4 =	sor.u32 $0x380, s4;
	[tilespmem:s29+$0x700] =	vst v58;
	v2 =	vsel vm14, $0x3F800000, v1  }
0x4c: {  	vm5 =	veq.s32 v3, $0xA;
	[tilespmem:s4+$0x480] =	vst v2;
	v2 =	vsel vm15, $0x3F800000, v1  }
0x4d: {  	vm7 =	veq.s32 v3, $0x9;
	v59 =	vsel vm5, $0x3F800000, v1;
	[tilespmem:s29+$0x2480] =	vst v2  }
0x4e: {  	vm9 =	veq.s32 v3, $0x11;
	v60 =	vsel vm7, $0x3F800000, v1;
	[tilespmem:s29+$0x2580] =	vst v59  }
0x4f: {  	vm11 =	veq.s32 v3, $0xF;
	v61 =	vsel vm9, $0x3F800000, v1;
	[tilespmem:s29+$0x2500] =	vst v60  }
0x50: {  	vm4 =	veq.s32 v3, $0x14;
	vm13 =	veq.s32 v3, $0xD;
	v62 =	vsel vm11, $0x3F800000, v1;
	[tilespmem:s29+$0x4500] =	vst v61  }
0x51: {  	vm6 =	veq.s32 v3, $0x13;
	vm8 =	veq.s32 v3, $0x12;
	v63 =	vsel vm13, $0x3F800000, v1;
	[tilespmem:s29+$0x2800] =	vst v62  }
0x52: {  	vm10 =	veq.s32 v3, $0x10;
	vm15 =	veq.s32 v3, $0xB;
	v2 =	vsel vm4, $0x3F800000, v1;
	[tilespmem:s29+$0x2700] =	vst v63  }
0x53: {  	vm12 =	veq.s32 v3, $0xE;
	vm14 =	veq.s32 v3, $0xC;
	v3 =	vsel vm15, $0x3F800000, v1;
	[tilespmem:s29+$0x4680] =	vst v2  }
0x54: {  	v2 =	vsel vm6, $0x3F800000, v1;
	[tilespmem:s29+$0x2600] =	vst v3  }
0x55: {  	[tilespmem:s29+$0x4600] =	vst v2;
	v2 =	vsel vm8, $0x3F800000, v1  }
0x56: {  	[tilespmem:s29+$0x4580] =	vst v2;
	v2 =	vsel vm10, $0x3F800000, v1  }
0x57: {  	[tilespmem:s29+$0x4480] =	vst v2;
	v2 =	vsel vm12, $0x3F800000, v1  }
0x58: {  	[tilespmem:s29+$0x2780] =	vst v2;
	v2 =	vsel vm14, $0x3F800000, v1  }
0x59: {  	s5 =	rddreg [dreg:$0x6];
	s28 =	simm.s32 $0x480;
	[tilespmem:s29+$0x2680] =	vst v2  }
0x5a: {  	[hbm4b:s5+s2] =	stream.linear.scatter [tilespmem:s28], [sflag:$0x1], $0x80, $0x38;
	[tilespmem:$0x6480] =	vst v63  }
0x5b: {  	s6 =	simm.s32 $0x880;
	s29 =	sadd.s32 $0x80, s5  }
0x5c: {  	[hbm4b:s29+s2] =	stream.linear.scatter [tilespmem:s6], [sflag:$0x1], $0x80, $0x38;
	[tilespmem:$0x6480] =	vst v63  }
0x5d: {  	s31 =	simm.s32 $0xC80;
	s30 =	sadd.s32 $0x100, s5  }
0x5e: {  	[hbm4b:s30+s2] =	stream.linear.scatter [tilespmem:s31], [sflag:$0x1], $0x80, $0x38;
	[tilespmem:$0x6480] =	vst v63  }
0x5f: {  	s7 =	simm.s32 $0x1080;
	s6 =	sadd.s32 $0x180, s5  }
0x60: {  	[hbm4b:s6+s2] =	stream.linear.scatter [tilespmem:s7], [sflag:$0x1], $0x80, $0x38;
	[tilespmem:$0x6480] =	vst v63  }
0x61: {  	s28 =	sadd.s32 $0x200, s5;
	s29 =	simm.s32 $0x1480  }
0x62: {  	[hbm4b:s28+s2] =	stream.linear.scatter [tilespmem:s29], [sflag:$0x1], $0x80, $0x38;
	[tilespmem:$0x6480] =	vst v63  }
0x63: {  	s30 =	sadd.s32 $0x280, s5;
	s31 =	simm.s32 $0x1880  }
0x64: {  	[hbm4b:s30+s2] =	stream.linear.scatter [tilespmem:s31], [sflag:$0x1], $0x80, $0x38;
	[tilespmem:$0x6480] =	vst v63  }
0x65: {  	s7 =	sadd.s32 $0x300, s5;
	s28 =	simm.s32 $0x1C80  }
0x66: {  	[hbm4b:s7+s2] =	stream.linear.scatter [tilespmem:s28], [sflag:$0x1], $0x80, $0x38;
	[tilespmem:$0x6480] =	vst v63  }
0x67: {  	s29 =	sadd.s32 $0x380, s5;
	s30 =	simm.s32 $0x2080  }
0x68: {  	[hbm4b:s29+s2] =	stream.linear.scatter [tilespmem:s30], [sflag:$0x1], $0x80, $0x38;
	[tilespmem:$0x6480] =	vst v63  }
0x69: {  	s5 =	rddreg [dreg:$0x7];
	s31 =	simm.s32 $0x500  }
0x6a: {  	[hbm4b:s5+s2] =	stream.linear.scatter [tilespmem:s31], [sflag:$0x1], $0x80, $0x38;
	[tilespmem:$0x6480] =	vst v63  }
0x6b: {  	s6 =	sadd.s32 $0x80, s5;
	s7 =	simm.s32 $0x900  }
0x6c: {  	[hbm4b:s6+s2] =	stream.linear.scatter [tilespmem:s7], [sflag:$0x1], $0x80, $0x38;
	[tilespmem:$0x6480] =	vst v63  }
0x6d: {  	s28 =	sadd.s32 $0x100, s5;
	s29 =	simm.s32 $0xD00  }
0x6e: {  	[hbm4b:s28+s2] =	stream.linear.scatter [tilespmem:s29], [sflag:$0x1], $0x80, $0x38;
	[tilespmem:$0x6480] =	vst v63  }
0x6f: {  	s30 =	sadd.s32 $0x180, s5;
	s31 =	simm.s32 $0x1100  }
0x70: {  	[hbm4b:s30+s2] =	stream.linear.scatter [tilespmem:s31], [sflag:$0x1], $0x80, $0x38;
	[tilespmem:$0x6480] =	vst v63  }
0x71: {  	s6 =	sadd.s32 $0x200, s5;
	s7 =	simm.s32 $0x1500  }
0x72: {  	[hbm4b:s6+s2] =	stream.linear.scatter [tilespmem:s7], [sflag:$0x1], $0x80, $0x38;
	[tilespmem:$0x6480] =	vst v63  }
0x73: {  	s28 =	sadd.s32 $0x280, s5;
	s29 =	simm.s32 $0x1900  }
0x74: {  	[hbm4b:s28+s2] =	stream.linear.scatter [tilespmem:s29], [sflag:$0x1], $0x80, $0x38;
	[tilespmem:$0x6480] =	vst v63  }
0x75: {  	s30 =	sadd.s32 $0x300, s5;
	s31 =	simm.s32 $0x1D00  }
0x76: {  	[hbm4b:s30+s2] =	stream.linear.scatter [tilespmem:s31], [sflag:$0x1], $0x80, $0x38;
	[tilespmem:$0x6480] =	vst v63  }
0x77: {  	s7 =	sadd.s32 $0x380, s5;
	s28 =	simm.s32 $0x2100  }
0x78: {  	[hbm4b:s7+s2] =	stream.linear.scatter [tilespmem:s28], [sflag:$0x1], $0x80, $0x38;
	[tilespmem:$0x6480] =	vst v63  }
0x79: {  	s29 =	simm.s32 $0x580  }
0x7a: {  	[hbm4b:s8+s2] =	stream.linear.scatter [tilespmem:s29], [sflag:$0x1], $0x80, $0x38;
	[tilespmem:$0x6480] =	vst v63  }
0x7b: {  	s30 =	sadd.s32 $0x80, s8;
	s31 =	simm.s32 $0x980  }
0x7c: {  	[hbm4b:s30+s2] =	stream.linear.scatter [tilespmem:s31], [sflag:$0x1], $0x80, $0x38;
	[tilespmem:$0x6480] =	vst v63  }
0x7d: {  	s6 =	sadd.s32 $0x100, s8;
	s7 =	simm.s32 $0xD80  }
0x7e: {  	[hbm4b:s6+s2] =	stream.linear.scatter [tilespmem:s7], [sflag:$0x1], $0x80, $0x38;
	[tilespmem:$0x6480] =	vst v63  }
0x7f: {  	s28 =	sadd.s32 $0x180, s8;
	s29 =	simm.s32 $0x1180  }
0x80: {  	[hbm4b:s28+s2] =	stream.linear.scatter [tilespmem:s29], [sflag:$0x1], $0x80, $0x38;
	[tilespmem:$0x6480] =	vst v63  }
0x81: {  	s30 =	sadd.s32 $0x200, s8;
	s31 =	simm.s32 $0x1580  }
0x82: {  	[hbm4b:s30+s2] =	stream.linear.scatter [tilespmem:s31], [sflag:$0x1], $0x80, $0x38;
	[tilespmem:$0x6480] =	vst v63  }
0x83: {  	s6 =	sadd.s32 $0x280, s8;
	s7 =	simm.s32 $0x1980  }
0x84: {  	[hbm4b:s6+s2] =	stream.linear.scatter [tilespmem:s7], [sflag:$0x1], $0x80, $0x38;
	[tilespmem:$0x6480] =	vst v63  }
0x85: {  	s28 =	sadd.s32 $0x300, s8;
	s29 =	simm.s32 $0x1D80  }
0x86: {  	[hbm4b:s28+s2] =	stream.linear.scatter [tilespmem:s29], [sflag:$0x1], $0x80, $0x38;
	[tilespmem:$0x6480] =	vst v63  }
0x87: {  	s30 =	sadd.s32 $0x380, s8;
	s31 =	simm.s32 $0x2180  }
0x88: {  	[hbm4b:s30+s2] =	stream.linear.scatter [tilespmem:s31], [sflag:$0x1], $0x80, $0x38;
	[tilespmem:$0x6480] =	vst v63  }
0x89: {  	s5 =	simm.s32 $0x600  }
0x8a: {  	[hbm4b:s9+s2] =	stream.linear.scatter [tilespmem:s5], [sflag:$0x1], $0x80, $0x38;
	[tilespmem:$0x6480] =	vst v63  }
0x8b: {  	s6 =	sadd.s32 $0x80, s9;
	s7 =	simm.s32 $0xA00  }
0x8c: {  	[hbm4b:s6+s2] =	stream.linear.scatter [tilespmem:s7], [sflag:$0x1], $0x80, $0x38;
	[tilespmem:$0x6480] =	vst v63  }
0x8d: {  	s28 =	sadd.s32 $0x100, s9;
	s29 =	simm.s32 $0xE00  }
0x8e: {  	[hbm4b:s28+s2] =	stream.linear.scatter [tilespmem:s29], [sflag:$0x1], $0x80, $0x38;
	[tilespmem:$0x6480] =	vst v63  }
0x8f: {  	s30 =	sadd.s32 $0x180, s9;
	s31 =	simm.s32 $0x1200  }
0x90: {  	[hbm4b:s30+s2] =	stream.linear.scatter [tilespmem:s31], [sflag:$0x1], $0x80, $0x38;
	[tilespmem:$0x6480] =	vst v63  }
0x91: {  	s6 =	sadd.s32 $0x200, s9;
	s7 =	simm.s32 $0x1600  }
0x92: {  	[hbm4b:s6+s2] =	stream.linear.scatter [tilespmem:s7], [sflag:$0x1], $0x80, $0x38;
	[tilespmem:$0x6480] =	vst v63  }
0x93: {  	s28 =	sadd.s32 $0x280, s9;
	s29 =	simm.s32 $0x1A00  }
0x94: {  	[hbm4b:s28+s2] =	stream.linear.scatter [tilespmem:s29], [sflag:$0x1], $0x80, $0x38;
	[tilespmem:$0x6480] =	vst v63  }
0x95: {  	s30 =	sadd.s32 $0x300, s9;
	s31 =	simm.s32 $0x1E00  }
0x96: {  	[hbm4b:s30+s2] =	stream.linear.scatter [tilespmem:s31], [sflag:$0x1], $0x80, $0x38;
	[tilespmem:$0x6480] =	vst v63  }
0x97: {  	s5 =	sadd.s32 $0x380, s9;
	s6 =	simm.s32 $0x2200  }
0x98: {  	[hbm4b:s5+s2] =	stream.linear.scatter [tilespmem:s6], [sflag:$0x1], $0x80, $0x38;
	[tilespmem:$0x6480] =	vst v63  }
0x99: {  	s7 =	simm.s32 $0x680  }
0x9a: {  	[hbm4b:s10+s2] =	stream.linear.scatter [tilespmem:s7], [sflag:$0x1], $0x80, $0x38;
	[tilespmem:$0x6480] =	vst v63  }
0x9b: {  	s28 =	sadd.s32 $0x80, s10;
	s29 =	simm.s32 $0xA80  }
0x9c: {  	[hbm4b:s28+s2] =	stream.linear.scatter [tilespmem:s29], [sflag:$0x1], $0x80, $0x38;
	[tilespmem:$0x6480] =	vst v63  }
0x9d: {  	s30 =	sadd.s32 $0x100, s10;
	s31 =	simm.s32 $0xE80  }
0x9e: {  	[hbm4b:s30+s2] =	stream.linear.scatter [tilespmem:s31], [sflag:$0x1], $0x80, $0x38;
	[tilespmem:$0x6480] =	vst v63  }
0x9f: {  	s6 =	sadd.s32 $0x180, s10;
	s7 =	simm.s32 $0x1280  }
0xa0: {  	[hbm4b:s6+s2] =	stream.linear.scatter [tilespmem:s7], [sflag:$0x1], $0x80, $0x38;
	[tilespmem:$0x6480] =	vst v63  }
0xa1: {  	s28 =	sadd.s32 $0x200, s10;
	s29 =	simm.s32 $0x1680  }
0xa2: {  	[hbm4b:s28+s2] =	stream.linear.scatter [tilespmem:s29], [sflag:$0x1], $0x80, $0x38;
	[tilespmem:$0x6480] =	vst v63  }
0xa3: {  	s30 =	sadd.s32 $0x280, s10;
	s31 =	simm.s32 $0x1A80  }
0xa4: {  	[hbm4b:s30+s2] =	stream.linear.scatter [tilespmem:s31], [sflag:$0x1], $0x80, $0x38;
	[tilespmem:$0x6480] =	vst v63  }
0xa5: {  	s5 =	sadd.s32 $0x300, s10;
	s6 =	simm.s32 $0x1E80  }
0xa6: {  	[hbm4b:s5+s2] =	stream.linear.scatter [tilespmem:s6], [sflag:$0x1], $0x80, $0x38;
	[tilespmem:$0x6480] =	vst v63  }
0xa7: {  	s7 =	sadd.s32 $0x380, s10;
	s28 =	simm.s32 $0x2280  }
0xa8: {  	[hbm4b:s7+s2] =	stream.linear.scatter [tilespmem:s28], [sflag:$0x1], $0x80, $0x38;
	[tilespmem:$0x6480] =	vst v63  }
0xa9: {  	s29 =	simm.s32 $0x700  }
0xaa: {  	[hbm4b:s11+s2] =	stream.linear.scatter [tilespmem:s29], [sflag:$0x1], $0x80, $0x38;
	[tilespmem:$0x6480] =	vst v63  }
0xab: {  	s30 =	sadd.s32 $0x80, s11;
	s31 =	simm.s32 $0xB00  }
0xac: {  	[hbm4b:s30+s2] =	stream.linear.scatter [tilespmem:s31], [sflag:$0x1], $0x80, $0x38;
	[tilespmem:$0x6480] =	vst v63  }
0xad: {  	s6 =	sadd.s32 $0x100, s11;
	s7 =	simm.s32 $0xF00  }
0xae: {  	[hbm4b:s6+s2] =	stream.linear.scatter [tilespmem:s7], [sflag:$0x1], $0x80, $0x38;
	[tilespmem:$0x6480] =	vst v63  }
0xaf: {  	s28 =	sadd.s32 $0x180, s11;
	s29 =	simm.s32 $0x1300  }
0xb0: {  	[hbm4b:s28+s2] =	stream.linear.scatter [tilespmem:s29], [sflag:$0x1], $0x80, $0x38;
	[tilespmem:$0x6480] =	vst v63  }
0xb1: {  	s30 =	sadd.s32 $0x200, s11;
	s31 =	simm.s32 $0x1700  }
0xb2: {  	[hbm4b:s30+s2] =	stream.linear.scatter [tilespmem:s31], [sflag:$0x1], $0x80, $0x38;
	[tilespmem:$0x6480] =	vst v63  }
0xb3: {  	s6 =	sadd.s32 $0x280, s11;
	s7 =	simm.s32 $0x1B00  }
0xb4: {  	[hbm4b:s6+s2] =	stream.linear.scatter [tilespmem:s7], [sflag:$0x1], $0x80, $0x38;
	[tilespmem:$0x6480] =	vst v63  }
0xb5: {  	s28 =	sadd.s32 $0x300, s11;
	s29 =	simm.s32 $0x1F00  }
0xb6: {  	[hbm4b:s28+s2] =	stream.linear.scatter [tilespmem:s29], [sflag:$0x1], $0x80, $0x38;
	[tilespmem:$0x6480] =	vst v63  }
0xb7: {  	s30 =	sadd.s32 $0x380, s11;
	s31 =	simm.s32 $0x2300  }
0xb8: {  	[hbm4b:s30+s2] =	stream.linear.scatter [tilespmem:s31], [sflag:$0x1], $0x80, $0x38;
	[tilespmem:$0x6480] =	vst v63  }
0xb9: {  	s5 =	simm.s32 $0x780  }
0xba: {  	[hbm4b:s12+s2] =	stream.linear.scatter [tilespmem:s5], [sflag:$0x1], $0x80, $0x38;
	[tilespmem:$0x6480] =	vst v63  }
0xbb: {  	s6 =	sadd.s32 $0x80, s12;
	s7 =	simm.s32 $0xB80  }
0xbc: {  	[hbm4b:s6+s2] =	stream.linear.scatter [tilespmem:s7], [sflag:$0x1], $0x80, $0x38;
	[tilespmem:$0x6480] =	vst v63  }
0xbd: {  	s28 =	sadd.s32 $0x100, s12;
	s29 =	simm.s32 $0xF80  }
0xbe: {  	[hbm4b:s28+s2] =	stream.linear.scatter [tilespmem:s29], [sflag:$0x1], $0x80, $0x38;
	[tilespmem:$0x6480] =	vst v63  }
0xbf: {  	s30 =	sadd.s32 $0x180, s12;
	s31 =	simm.s32 $0x1380  }
0xc0: {  	[hbm4b:s30+s2] =	stream.linear.scatter [tilespmem:s31], [sflag:$0x1], $0x80, $0x38;
	[tilespmem:$0x6480] =	vst v63  }
0xc1: {  	s6 =	sadd.s32 $0x200, s12;
	s7 =	simm.s32 $0x1780  }
0xc2: {  	[hbm4b:s6+s2] =	stream.linear.scatter [tilespmem:s7], [sflag:$0x1], $0x80, $0x38;
	[tilespmem:$0x6480] =	vst v63  }
0xc3: {  	s28 =	sadd.s32 $0x280, s12;
	s29 =	simm.s32 $0x1B80  }
0xc4: {  	[hbm4b:s28+s2] =	stream.linear.scatter [tilespmem:s29], [sflag:$0x1], $0x80, $0x38;
	[tilespmem:$0x6480] =	vst v63  }
0xc5: {  	s30 =	sadd.s32 $0x300, s12;
	s31 =	simm.s32 $0x1F80  }
0xc6: {  	[hbm4b:s30+s2] =	stream.linear.scatter [tilespmem:s31], [sflag:$0x1], $0x80, $0x38;
	[tilespmem:$0x6480] =	vst v63  }
0xc7: {  	s5 =	sadd.s32 $0x380, s12;
	s6 =	simm.s32 $0x2380  }
0xc8: {  	[hbm4b:s5+s2] =	stream.linear.scatter [tilespmem:s6], [sflag:$0x1], $0x80, $0x38;
	[tilespmem:$0x6480] =	vst v63  }
0xc9: {  	s7 =	simm.s32 $0x800  }
0xca: {  	[hbm4b:s13+s2] =	stream.linear.scatter [tilespmem:s7], [sflag:$0x1], $0x80, $0x38;
	[tilespmem:$0x6480] =	vst v63  }
0xcb: {  	s28 =	sadd.s32 $0x80, s13;
	s29 =	simm.s32 $0xC00  }
0xcc: {  	[hbm4b:s28+s2] =	stream.linear.scatter [tilespmem:s29], [sflag:$0x1], $0x80, $0x38;
	[tilespmem:$0x6480] =	vst v63  }
0xcd: {  	s30 =	sadd.s32 $0x100, s13;
	s31 =	simm.s32 $0x1000  }
0xce: {  	[hbm4b:s30+s2] =	stream.linear.scatter [tilespmem:s31], [sflag:$0x1], $0x80, $0x38;
	[tilespmem:$0x6480] =	vst v63  }
0xcf: {  	s6 =	sadd.s32 $0x180, s13;
	s7 =	simm.s32 $0x1400  }
0xd0: {  	[hbm4b:s6+s2] =	stream.linear.scatter [tilespmem:s7], [sflag:$0x1], $0x80, $0x38;
	[tilespmem:$0x6480] =	vst v63  }
0xd1: {  	s28 =	sadd.s32 $0x200, s13;
	s29 =	simm.s32 $0x1800  }
0xd2: {  	[hbm4b:s28+s2] =	stream.linear.scatter [tilespmem:s29], [sflag:$0x1], $0x80, $0x38;
	[tilespmem:$0x6480] =	vst v63  }
0xd3: {  	s30 =	sadd.s32 $0x280, s13;
	s31 =	simm.s32 $0x1C00  }
0xd4: {  	[hbm4b:s30+s2] =	stream.linear.scatter [tilespmem:s31], [sflag:$0x1], $0x80, $0x38;
	[tilespmem:$0x6480] =	vst v63  }
0xd5: {  	s5 =	sadd.s32 $0x300, s13;
	s6 =	simm.s32 $0x2000  }
0xd6: {  	[hbm4b:s5+s2] =	stream.linear.scatter [tilespmem:s6], [sflag:$0x1], $0x80, $0x38;
	[tilespmem:$0x6480] =	vst v63  }
0xd7: {  	s7 =	sadd.s32 $0x380, s13;
	s28 =	simm.s32 $0x2400  }
0xd8: {  	[hbm4b:s7+s2] =	stream.linear.scatter [tilespmem:s28], [sflag:$0x1], $0x80, $0x38;
	[tilespmem:$0x6480] =	vst v63  }
0xd9: {  	s29 =	simm.s32 $0x2480  }
0xda: {  	[hbm4b:s14+s2] =	stream.linear.scatter [tilespmem:s29], [sflag:$0x1], $0x80, $0x38;
	[tilespmem:$0x6480] =	vst v63  }
0xdb: {  	s30 =	sadd.s32 $0x80, s14;
	s31 =	simm.s32 $0x2880  }
0xdc: {  	[hbm4b:s30+s2] =	stream.linear.scatter [tilespmem:s31], [sflag:$0x1], $0x80, $0x38;
	[tilespmem:$0x6480] =	vst v63  }
0xdd: {  	s6 =	sadd.s32 $0x100, s14;
	s7 =	simm.s32 $0x2C80  }
0xde: {  	[hbm4b:s6+s2] =	stream.linear.scatter [tilespmem:s7], [sflag:$0x1], $0x80, $0x38;
	[tilespmem:$0x6480] =	vst v63  }
0xdf: {  	s28 =	sadd.s32 $0x180, s14;
	s29 =	simm.s32 $0x3080  }
0xe0: {  	[hbm4b:s28+s2] =	stream.linear.scatter [tilespmem:s29], [sflag:$0x1], $0x80, $0x38;
	[tilespmem:$0x6480] =	vst v63  }
0xe1: {  	s30 =	sadd.s32 $0x200, s14;
	s31 =	simm.s32 $0x3480  }
0xe2: {  	[hbm4b:s30+s2] =	stream.linear.scatter [tilespmem:s31], [sflag:$0x1], $0x80, $0x38;
	[tilespmem:$0x6480] =	vst v63  }
0xe3: {  	s6 =	sadd.s32 $0x280, s14;
	s7 =	simm.s32 $0x3880  }
0xe4: {  	[hbm4b:s6+s2] =	stream.linear.scatter [tilespmem:s7], [sflag:$0x1], $0x80, $0x38;
	[tilespmem:$0x6480] =	vst v63  }
0xe5: {  	s28 =	sadd.s32 $0x300, s14;
	s29 =	simm.s32 $0x3C80  }
0xe6: {  	[hbm4b:s28+s2] =	stream.linear.scatter [tilespmem:s29], [sflag:$0x1], $0x80, $0x38;
	[tilespmem:$0x6480] =	vst v63  }
0xe7: {  	s30 =	sadd.s32 $0x380, s14;
	s31 =	simm.s32 $0x4080  }
0xe8: {  	[hbm4b:s30+s2] =	stream.linear.scatter [tilespmem:s31], [sflag:$0x1], $0x80, $0x38;
	[tilespmem:$0x6480] =	vst v63  }
0xe9: {  	s5 =	simm.s32 $0x2500  }
0xea: {  	[hbm4b:s15+s2] =	stream.linear.scatter [tilespmem:s5], [sflag:$0x1], $0x80, $0x38;
	[tilespmem:$0x6480] =	vst v63  }
0xeb: {  	s6 =	sadd.s32 $0x80, s15;
	s7 =	simm.s32 $0x2900  }
0xec: {  	[hbm4b:s6+s2] =	stream.linear.scatter [tilespmem:s7], [sflag:$0x1], $0x80, $0x38;
	[tilespmem:$0x6480] =	vst v63  }
0xed: {  	s28 =	sadd.s32 $0x100, s15;
	s29 =	simm.s32 $0x2D00  }
0xee: {  	[hbm4b:s28+s2] =	stream.linear.scatter [tilespmem:s29], [sflag:$0x1], $0x80, $0x38;
	[tilespmem:$0x6480] =	vst v63  }
0xef: {  	s30 =	sadd.s32 $0x180, s15;
	s31 =	simm.s32 $0x3100  }
0xf0: {  	[hbm4b:s30+s2] =	stream.linear.scatter [tilespmem:s31], [sflag:$0x1], $0x80, $0x38;
	[tilespmem:$0x6480] =	vst v63  }
0xf1: {  	s6 =	sadd.s32 $0x200, s15;
	s7 =	simm.s32 $0x3500  }
0xf2: {  	[hbm4b:s6+s2] =	stream.linear.scatter [tilespmem:s7], [sflag:$0x1], $0x80, $0x38;
	[tilespmem:$0x6480] =	vst v63  }
0xf3: {  	s28 =	sadd.s32 $0x280, s15;
	s29 =	simm.s32 $0x3900  }
0xf4: {  	[hbm4b:s28+s2] =	stream.linear.scatter [tilespmem:s29], [sflag:$0x1], $0x80, $0x38;
	[tilespmem:$0x6480] =	vst v63  }
0xf5: {  	s30 =	sadd.s32 $0x300, s15;
	s31 =	simm.s32 $0x3D00  }
0xf6: {  	[hbm4b:s30+s2] =	stream.linear.scatter [tilespmem:s31], [sflag:$0x1], $0x80, $0x38;
	[tilespmem:$0x6480] =	vst v63  }
0xf7: {  	s5 =	sadd.s32 $0x380, s15;
	s6 =	simm.s32 $0x4100  }
0xf8: {  	[hbm4b:s5+s2] =	stream.linear.scatter [tilespmem:s6], [sflag:$0x1], $0x80, $0x38;
	[tilespmem:$0x6480] =	vst v63  }
0xf9: {  	s7 =	simm.s32 $0x2580  }
0xfa: {  	[hbm4b:s16+s2] =	stream.linear.scatter [tilespmem:s7], [sflag:$0x1], $0x80, $0x38;
	[tilespmem:$0x6480] =	vst v63  }
0xfb: {  	s28 =	sadd.s32 $0x80, s16;
	s29 =	simm.s32 $0x2980  }
0xfc: {  	[hbm4b:s28+s2] =	stream.linear.scatter [tilespmem:s29], [sflag:$0x1], $0x80, $0x38;
	[tilespmem:$0x6480] =	vst v63  }
0xfd: {  	s30 =	sadd.s32 $0x100, s16;
	s31 =	simm.s32 $0x2D80  }
0xfe: {  	[hbm4b:s30+s2] =	stream.linear.scatter [tilespmem:s31], [sflag:$0x1], $0x80, $0x38;
	[tilespmem:$0x6480] =	vst v63  }
0xff: {  	s6 =	sadd.s32 $0x180, s16;
	s7 =	simm.s32 $0x3180  }
0x100: {  	[hbm4b:s6+s2] =	stream.linear.scatter [tilespmem:s7], [sflag:$0x1], $0x80, $0x38;
	[tilespmem:$0x6480] =	vst v63  }
0x101: {  	s28 =	sadd.s32 $0x200, s16;
	s29 =	simm.s32 $0x3580  }
0x102: {  	[hbm4b:s28+s2] =	stream.linear.scatter [tilespmem:s29], [sflag:$0x1], $0x80, $0x38;
	[tilespmem:$0x6480] =	vst v63  }
0x103: {  	s30 =	sadd.s32 $0x280, s16;
	s31 =	simm.s32 $0x3980  }
0x104: {  	[hbm4b:s30+s2] =	stream.linear.scatter [tilespmem:s31], [sflag:$0x1], $0x80, $0x38;
	[tilespmem:$0x6480] =	vst v63  }
0x105: {  	s5 =	sadd.s32 $0x300, s16;
	s6 =	simm.s32 $0x3D80  }
0x106: {  	[hbm4b:s5+s2] =	stream.linear.scatter [tilespmem:s6], [sflag:$0x1], $0x80, $0x38;
	[tilespmem:$0x6480] =	vst v63  }
0x107: {  	s7 =	sadd.s32 $0x380, s16;
	s28 =	simm.s32 $0x4180  }
0x108: {  	[hbm4b:s7+s2] =	stream.linear.scatter [tilespmem:s28], [sflag:$0x1], $0x80, $0x38;
	[tilespmem:$0x6480] =	vst v63  }
0x109: {  	s29 =	simm.s32 $0x2600  }
0x10a: {  	[hbm4b:s17+s2] =	stream.linear.scatter [tilespmem:s29], [sflag:$0x1], $0x80, $0x38;
	[tilespmem:$0x6480] =	vst v63  }
0x10b: {  	s30 =	sadd.s32 $0x80, s17;
	s31 =	simm.s32 $0x2A00  }
0x10c: {  	[hbm4b:s30+s2] =	stream.linear.scatter [tilespmem:s31], [sflag:$0x1], $0x80, $0x38;
	[tilespmem:$0x6480] =	vst v63  }
0x10d: {  	s6 =	sadd.s32 $0x100, s17;
	s7 =	simm.s32 $0x2E00  }
0x10e: {  	[hbm4b:s6+s2] =	stream.linear.scatter [tilespmem:s7], [sflag:$0x1], $0x80, $0x38;
	[tilespmem:$0x6480] =	vst v63  }
0x10f: {  	s28 =	sadd.s32 $0x180, s17;
	s29 =	simm.s32 $0x3200  }
0x110: {  	[hbm4b:s28+s2] =	stream.linear.scatter [tilespmem:s29], [sflag:$0x1], $0x80, $0x38;
	[tilespmem:$0x6480] =	vst v63  }
0x111: {  	s30 =	sadd.s32 $0x200, s17;
	s31 =	simm.s32 $0x3600  }
0x112: {  	[hbm4b:s30+s2] =	stream.linear.scatter [tilespmem:s31], [sflag:$0x1], $0x80, $0x38;
	[tilespmem:$0x6480] =	vst v63  }
0x113: {  	s6 =	sadd.s32 $0x280, s17;
	s7 =	simm.s32 $0x3A00  }
0x114: {  	[hbm4b:s6+s2] =	stream.linear.scatter [tilespmem:s7], [sflag:$0x1], $0x80, $0x38;
	[tilespmem:$0x6480] =	vst v63  }
0x115: {  	s28 =	sadd.s32 $0x300, s17;
	s29 =	simm.s32 $0x3E00  }
0x116: {  	[hbm4b:s28+s2] =	stream.linear.scatter [tilespmem:s29], [sflag:$0x1], $0x80, $0x38;
	[tilespmem:$0x6480] =	vst v63  }
0x117: {  	s30 =	sadd.s32 $0x380, s17;
	s31 =	simm.s32 $0x4200  }
0x118: {  	[hbm4b:s30+s2] =	stream.linear.scatter [tilespmem:s31], [sflag:$0x1], $0x80, $0x38;
	[tilespmem:$0x6480] =	vst v63  }
0x119: {  	s5 =	simm.s32 $0x2680  }
0x11a: {  	[hbm4b:s18+s2] =	stream.linear.scatter [tilespmem:s5], [sflag:$0x1], $0x80, $0x38;
	[tilespmem:$0x6480] =	vst v63  }
0x11b: {  	s6 =	sadd.s32 $0x80, s18;
	s7 =	simm.s32 $0x2A80  }
0x11c: {  	[hbm4b:s6+s2] =	stream.linear.scatter [tilespmem:s7], [sflag:$0x1], $0x80, $0x38;
	[tilespmem:$0x6480] =	vst v63  }
0x11d: {  	s28 =	sadd.s32 $0x100, s18;
	s29 =	simm.s32 $0x2E80  }
0x11e: {  	[hbm4b:s28+s2] =	stream.linear.scatter [tilespmem:s29], [sflag:$0x1], $0x80, $0x38;
	[tilespmem:$0x6480] =	vst v63  }
0x11f: {  	s30 =	sadd.s32 $0x180, s18;
	s31 =	simm.s32 $0x3280  }
0x120: {  	[hbm4b:s30+s2] =	stream.linear.scatter [tilespmem:s31], [sflag:$0x1], $0x80, $0x38;
	[tilespmem:$0x6480] =	vst v63  }
0x121: {  	s6 =	sadd.s32 $0x200, s18;
	s7 =	simm.s32 $0x3680  }
0x122: {  	[hbm4b:s6+s2] =	stream.linear.scatter [tilespmem:s7], [sflag:$0x1], $0x80, $0x38;
	[tilespmem:$0x6480] =	vst v63  }
0x123: {  	s28 =	sadd.s32 $0x280, s18;
	s29 =	simm.s32 $0x3A80  }
0x124: {  	[hbm4b:s28+s2] =	stream.linear.scatter [tilespmem:s29], [sflag:$0x1], $0x80, $0x38;
	[tilespmem:$0x6480] =	vst v63  }
0x125: {  	s30 =	sadd.s32 $0x300, s18;
	s31 =	simm.s32 $0x3E80  }
0x126: {  	[hbm4b:s30+s2] =	stream.linear.scatter [tilespmem:s31], [sflag:$0x1], $0x80, $0x38;
	[tilespmem:$0x6480] =	vst v63  }
0x127: {  	s5 =	sadd.s32 $0x380, s18;
	s6 =	simm.s32 $0x4280  }
0x128: {  	[hbm4b:s5+s2] =	stream.linear.scatter [tilespmem:s6], [sflag:$0x1], $0x80, $0x38;
	[tilespmem:$0x6480] =	vst v63  }
0x129: {  	s7 =	simm.s32 $0x2700  }
0x12a: {  	[hbm4b:s19+s2] =	stream.linear.scatter [tilespmem:s7], [sflag:$0x1], $0x80, $0x38;
	[tilespmem:$0x6480] =	vst v63  }
0x12b: {  	s28 =	sadd.s32 $0x80, s19;
	s29 =	simm.s32 $0x2B00  }
0x12c: {  	[hbm4b:s28+s2] =	stream.linear.scatter [tilespmem:s29], [sflag:$0x1], $0x80, $0x38;
	[tilespmem:$0x6480] =	vst v63  }
0x12d: {  	s30 =	sadd.s32 $0x100, s19;
	s31 =	simm.s32 $0x2F00  }
0x12e: {  	[hbm4b:s30+s2] =	stream.linear.scatter [tilespmem:s31], [sflag:$0x1], $0x80, $0x38;
	[tilespmem:$0x6480] =	vst v63  }
0x12f: {  	s6 =	sadd.s32 $0x180, s19;
	s7 =	simm.s32 $0x3300  }
0x130: {  	[hbm4b:s6+s2] =	stream.linear.scatter [tilespmem:s7], [sflag:$0x1], $0x80, $0x38;
	[tilespmem:$0x6480] =	vst v63  }
0x131: {  	s28 =	sadd.s32 $0x200, s19;
	s29 =	simm.s32 $0x3700  }
0x132: {  	[hbm4b:s28+s2] =	stream.linear.scatter [tilespmem:s29], [sflag:$0x1], $0x80, $0x38;
	[tilespmem:$0x6480] =	vst v63  }
0x133: {  	s30 =	sadd.s32 $0x280, s19;
	s31 =	simm.s32 $0x3B00  }
0x134: {  	[hbm4b:s30+s2] =	stream.linear.scatter [tilespmem:s31], [sflag:$0x1], $0x80, $0x38;
	[tilespmem:$0x6480] =	vst v63  }
0x135: {  	s5 =	sadd.s32 $0x300, s19;
	s6 =	simm.s32 $0x3F00  }
0x136: {  	[hbm4b:s5+s2] =	stream.linear.scatter [tilespmem:s6], [sflag:$0x1], $0x80, $0x38;
	[tilespmem:$0x6480] =	vst v63  }
0x137: {  	s7 =	sadd.s32 $0x380, s19;
	s28 =	simm.s32 $0x4300  }
0x138: {  	[hbm4b:s7+s2] =	stream.linear.scatter [tilespmem:s28], [sflag:$0x1], $0x80, $0x38;
	[tilespmem:$0x6480] =	vst v63  }
0x139: {  	s29 =	simm.s32 $0x2780  }
0x13a: {  	[hbm4b:s20+s2] =	stream.linear.scatter [tilespmem:s29], [sflag:$0x1], $0x80, $0x38;
	[tilespmem:$0x6480] =	vst v63  }
0x13b: {  	s30 =	sadd.s32 $0x80, s20;
	s31 =	simm.s32 $0x2B80  }
0x13c: {  	[hbm4b:s30+s2] =	stream.linear.scatter [tilespmem:s31], [sflag:$0x1], $0x80, $0x38;
	[tilespmem:$0x6480] =	vst v63  }
0x13d: {  	s6 =	sadd.s32 $0x100, s20;
	s7 =	simm.s32 $0x2F80  }
0x13e: {  	[hbm4b:s6+s2] =	stream.linear.scatter [tilespmem:s7], [sflag:$0x1], $0x80, $0x38;
	[tilespmem:$0x6480] =	vst v63  }
0x13f: {  	s28 =	sadd.s32 $0x180, s20;
	s29 =	simm.s32 $0x3380  }
0x140: {  	[hbm4b:s28+s2] =	stream.linear.scatter [tilespmem:s29], [sflag:$0x1], $0x80, $0x38;
	[tilespmem:$0x6480] =	vst v63  }
0x141: {  	s30 =	sadd.s32 $0x200, s20;
	s31 =	simm.s32 $0x3780  }
0x142: {  	[hbm4b:s30+s2] =	stream.linear.scatter [tilespmem:s31], [sflag:$0x1], $0x80, $0x38;
	[tilespmem:$0x6480] =	vst v63  }
0x143: {  	s6 =	sadd.s32 $0x280, s20;
	s7 =	simm.s32 $0x3B80  }
0x144: {  	[hbm4b:s6+s2] =	stream.linear.scatter [tilespmem:s7], [sflag:$0x1], $0x80, $0x38;
	[tilespmem:$0x6480] =	vst v63  }
0x145: {  	s28 =	sadd.s32 $0x300, s20;
	s29 =	simm.s32 $0x3F80  }
0x146: {  	[hbm4b:s28+s2] =	stream.linear.scatter [tilespmem:s29], [sflag:$0x1], $0x80, $0x38;
	[tilespmem:$0x6480] =	vst v63  }
0x147: {  	s30 =	sadd.s32 $0x380, s20;
	s31 =	simm.s32 $0x4380  }
0x148: {  	[hbm4b:s30+s2] =	stream.linear.scatter [tilespmem:s31], [sflag:$0x1], $0x80, $0x38;
	[tilespmem:$0x6480] =	vst v63  }
0x149: {  	s5 =	simm.s32 $0x2800  }
0x14a: {  	[hbm4b:s21+s2] =	stream.linear.scatter [tilespmem:s5], [sflag:$0x1], $0x80, $0x38;
	[tilespmem:$0x6480] =	vst v63  }
0x14b: {  	s6 =	sadd.s32 $0x80, s21;
	s7 =	simm.s32 $0x2C00  }
0x14c: {  	[hbm4b:s6+s2] =	stream.linear.scatter [tilespmem:s7], [sflag:$0x1], $0x80, $0x38;
	[tilespmem:$0x6480] =	vst v63  }
0x14d: {  	s28 =	sadd.s32 $0x100, s21;
	s29 =	simm.s32 $0x3000  }
0x14e: {  	[hbm4b:s28+s2] =	stream.linear.scatter [tilespmem:s29], [sflag:$0x1], $0x80, $0x38;
	[tilespmem:$0x6480] =	vst v63  }
0x14f: {  	s30 =	sadd.s32 $0x180, s21;
	s31 =	simm.s32 $0x3400  }
0x150: {  	[hbm4b:s30+s2] =	stream.linear.scatter [tilespmem:s31], [sflag:$0x1], $0x80, $0x38;
	[tilespmem:$0x6480] =	vst v63  }
0x151: {  	s6 =	sadd.s32 $0x200, s21;
	s7 =	simm.s32 $0x3800  }
0x152: {  	[hbm4b:s6+s2] =	stream.linear.scatter [tilespmem:s7], [sflag:$0x1], $0x80, $0x38;
	[tilespmem:$0x6480] =	vst v63  }
0x153: {  	s28 =	sadd.s32 $0x280, s21;
	s29 =	simm.s32 $0x3C00  }
0x154: {  	[hbm4b:s28+s2] =	stream.linear.scatter [tilespmem:s29], [sflag:$0x1], $0x80, $0x38;
	[tilespmem:$0x6480] =	vst v63  }
0x155: {  	s30 =	sadd.s32 $0x300, s21;
	s31 =	simm.s32 $0x4000  }
0x156: {  	[hbm4b:s30+s2] =	stream.linear.scatter [tilespmem:s31], [sflag:$0x1], $0x80, $0x38;
	[tilespmem:$0x6480] =	vst v63  }
0x157: {  	s5 =	sadd.s32 $0x380, s21;
	s6 =	simm.s32 $0x4400  }
0x158: {  	[hbm4b:s5+s2] =	stream.linear.scatter [tilespmem:s6], [sflag:$0x1], $0x80, $0x38;
	[tilespmem:$0x6480] =	vst v63  }
0x159: {  	s7 =	simm.s32 $0x4480  }
0x15a: {  	[hbm4b:s22+s2] =	stream.linear.scatter [tilespmem:s7], [sflag:$0x1], $0x80, $0x38;
	[tilespmem:$0x6480] =	vst v63  }
0x15b: {  	s28 =	sadd.s32 $0x80, s22;
	s29 =	simm.s32 $0x4880  }
0x15c: {  	[hbm4b:s28+s2] =	stream.linear.scatter [tilespmem:s29], [sflag:$0x1], $0x80, $0x38;
	[tilespmem:$0x6480] =	vst v63  }
0x15d: {  	s30 =	sadd.s32 $0x100, s22;
	s31 =	simm.s32 $0x4C80  }
0x15e: {  	[hbm4b:s30+s2] =	stream.linear.scatter [tilespmem:s31], [sflag:$0x1], $0x80, $0x38;
	[tilespmem:$0x6480] =	vst v63  }
0x15f: {  	s6 =	sadd.s32 $0x180, s22;
	s7 =	simm.s32 $0x5080  }
0x160: {  	[hbm4b:s6+s2] =	stream.linear.scatter [tilespmem:s7], [sflag:$0x1], $0x80, $0x38;
	[tilespmem:$0x6480] =	vst v63  }
0x161: {  	s28 =	sadd.s32 $0x200, s22;
	s29 =	simm.s32 $0x5480  }
0x162: {  	[hbm4b:s28+s2] =	stream.linear.scatter [tilespmem:s29], [sflag:$0x1], $0x80, $0x38;
	[tilespmem:$0x6480] =	vst v63  }
0x163: {  	s30 =	sadd.s32 $0x280, s22;
	s31 =	simm.s32 $0x5880  }
0x164: {  	[hbm4b:s30+s2] =	stream.linear.scatter [tilespmem:s31], [sflag:$0x1], $0x80, $0x38;
	[tilespmem:$0x6480] =	vst v63  }
0x165: {  	s5 =	sadd.s32 $0x300, s22;
	s6 =	simm.s32 $0x5C80  }
0x166: {  	[hbm4b:s5+s2] =	stream.linear.scatter [tilespmem:s6], [sflag:$0x1], $0x80, $0x38;
	[tilespmem:$0x6480] =	vst v63  }
0x167: {  	s7 =	sadd.s32 $0x380, s22;
	s28 =	simm.s32 $0x6080  }
0x168: {  	[hbm4b:s7+s2] =	stream.linear.scatter [tilespmem:s28], [sflag:$0x1], $0x80, $0x38;
	[tilespmem:$0x6480] =	vst v63  }
0x169: {  	s29 =	simm.s32 $0x4500  }
0x16a: {  	[hbm4b:s23+s2] =	stream.linear.scatter [tilespmem:s29], [sflag:$0x1], $0x80, $0x38;
	[tilespmem:$0x6480] =	vst v63  }
0x16b: {  	s30 =	sadd.s32 $0x80, s23;
	s31 =	simm.s32 $0x4900  }
0x16c: {  	[hbm4b:s30+s2] =	stream.linear.scatter [tilespmem:s31], [sflag:$0x1], $0x80, $0x38;
	[tilespmem:$0x6480] =	vst v63  }
0x16d: {  	s6 =	sadd.s32 $0x100, s23;
	s7 =	simm.s32 $0x4D00  }
0x16e: {  	[hbm4b:s6+s2] =	stream.linear.scatter [tilespmem:s7], [sflag:$0x1], $0x80, $0x38;
	[tilespmem:$0x6480] =	vst v63  }
0x16f: {  	s28 =	sadd.s32 $0x180, s23;
	s29 =	simm.s32 $0x5100  }
0x170: {  	[hbm4b:s28+s2] =	stream.linear.scatter [tilespmem:s29], [sflag:$0x1], $0x80, $0x38;
	[tilespmem:$0x6480] =	vst v63  }
0x171: {  	s30 =	sadd.s32 $0x200, s23;
	s31 =	simm.s32 $0x5500  }
0x172: {  	[hbm4b:s30+s2] =	stream.linear.scatter [tilespmem:s31], [sflag:$0x1], $0x80, $0x38;
	[tilespmem:$0x6480] =	vst v63  }
0x173: {  	s6 =	sadd.s32 $0x280, s23;
	s7 =	simm.s32 $0x5900  }
0x174: {  	[hbm4b:s6+s2] =	stream.linear.scatter [tilespmem:s7], [sflag:$0x1], $0x80, $0x38;
	[tilespmem:$0x6480] =	vst v63  }
0x175: {  	s28 =	sadd.s32 $0x300, s23;
	s29 =	simm.s32 $0x5D00  }
0x176: {  	[hbm4b:s28+s2] =	stream.linear.scatter [tilespmem:s29], [sflag:$0x1], $0x80, $0x38;
	[tilespmem:$0x6480] =	vst v63  }
0x177: {  	s30 =	sadd.s32 $0x380, s23;
	s31 =	simm.s32 $0x6100  }
0x178: {  	[hbm4b:s30+s2] =	stream.linear.scatter [tilespmem:s31], [sflag:$0x1], $0x80, $0x38;
	[tilespmem:$0x6480] =	vst v63  }
0x179: {  	s5 =	simm.s32 $0x4580  }
0x17a: {  	[hbm4b:s24+s2] =	stream.linear.scatter [tilespmem:s5], [sflag:$0x1], $0x80, $0x38;
	[tilespmem:$0x6480] =	vst v63  }
0x17b: {  	s6 =	sadd.s32 $0x80, s24;
	s7 =	simm.s32 $0x4980  }
0x17c: {  	[hbm4b:s6+s2] =	stream.linear.scatter [tilespmem:s7], [sflag:$0x1], $0x80, $0x38;
	[tilespmem:$0x6480] =	vst v63  }
0x17d: {  	s28 =	sadd.s32 $0x100, s24;
	s29 =	simm.s32 $0x4D80  }
0x17e: {  	[hbm4b:s28+s2] =	stream.linear.scatter [tilespmem:s29], [sflag:$0x1], $0x80, $0x38;
	[tilespmem:$0x6480] =	vst v63  }
0x17f: {  	s30 =	sadd.s32 $0x180, s24;
	s31 =	simm.s32 $0x5180  }
0x180: {  	[hbm4b:s30+s2] =	stream.linear.scatter [tilespmem:s31], [sflag:$0x1], $0x80, $0x38;
	[tilespmem:$0x6480] =	vst v63  }
0x181: {  	s6 =	sadd.s32 $0x200, s24;
	s7 =	simm.s32 $0x5580  }
0x182: {  	[hbm4b:s6+s2] =	stream.linear.scatter [tilespmem:s7], [sflag:$0x1], $0x80, $0x38;
	[tilespmem:$0x6480] =	vst v63  }
0x183: {  	s28 =	sadd.s32 $0x280, s24;
	s29 =	simm.s32 $0x5980  }
0x184: {  	[hbm4b:s28+s2] =	stream.linear.scatter [tilespmem:s29], [sflag:$0x1], $0x80, $0x38;
	[tilespmem:$0x6480] =	vst v63  }
0x185: {  	s30 =	sadd.s32 $0x300, s24;
	s31 =	simm.s32 $0x5D80  }
0x186: {  	[hbm4b:s30+s2] =	stream.linear.scatter [tilespmem:s31], [sflag:$0x1], $0x80, $0x38;
	[tilespmem:$0x6480] =	vst v63  }
0x187: {  	s5 =	sadd.s32 $0x380, s24;
	s6 =	simm.s32 $0x6180  }
0x188: {  	[hbm4b:s5+s2] =	stream.linear.scatter [tilespmem:s6], [sflag:$0x1], $0x80, $0x38;
	[tilespmem:$0x6480] =	vst v63  }
0x189: {  	s7 =	simm.s32 $0x4600  }
0x18a: {  	[hbm4b:s25+s2] =	stream.linear.scatter [tilespmem:s7], [sflag:$0x1], $0x80, $0x38;
	[tilespmem:$0x6480] =	vst v63  }
0x18b: {  	s28 =	sadd.s32 $0x80, s25;
	s29 =	simm.s32 $0x4A00  }
0x18c: {  	[hbm4b:s28+s2] =	stream.linear.scatter [tilespmem:s29], [sflag:$0x1], $0x80, $0x38;
	[tilespmem:$0x6480] =	vst v63  }
0x18d: {  	s30 =	sadd.s32 $0x100, s25;
	s31 =	simm.s32 $0x4E00  }
0x18e: {  	[hbm4b:s30+s2] =	stream.linear.scatter [tilespmem:s31], [sflag:$0x1], $0x80, $0x38;
	[tilespmem:$0x6480] =	vst v63  }
0x18f: {  	s6 =	sadd.s32 $0x180, s25;
	s7 =	simm.s32 $0x5200  }
0x190: {  	[hbm4b:s6+s2] =	stream.linear.scatter [tilespmem:s7], [sflag:$0x1], $0x80, $0x38;
	[tilespmem:$0x6480] =	vst v63  }
0x191: {  	s28 =	sadd.s32 $0x200, s25;
	s29 =	simm.s32 $0x5600  }
0x192: {  	[hbm4b:s28+s2] =	stream.linear.scatter [tilespmem:s29], [sflag:$0x1], $0x80, $0x38;
	[tilespmem:$0x6480] =	vst v63  }
0x193: {  	s30 =	sadd.s32 $0x280, s25;
	s31 =	simm.s32 $0x5A00  }
0x194: {  	[hbm4b:s30+s2] =	stream.linear.scatter [tilespmem:s31], [sflag:$0x1], $0x80, $0x38;
	[tilespmem:$0x6480] =	vst v63  }
0x195: {  	s5 =	sadd.s32 $0x300, s25;
	s6 =	simm.s32 $0x5E00  }
0x196: {  	[hbm4b:s5+s2] =	stream.linear.scatter [tilespmem:s6], [sflag:$0x1], $0x80, $0x38;
	[tilespmem:$0x6480] =	vst v63  }
0x197: {  	s7 =	sadd.s32 $0x380, s25;
	s28 =	simm.s32 $0x6200  }
0x198: {  	[hbm4b:s7+s2] =	stream.linear.scatter [tilespmem:s28], [sflag:$0x1], $0x80, $0x38;
	[tilespmem:$0x6480] =	vst v63  }
0x199: {  	s29 =	simm.s32 $0x4680  }
0x19a: {  	[hbm4b:s26+s2] =	stream.linear.scatter [tilespmem:s29], [sflag:$0x1], $0x80, $0x38;
	[tilespmem:$0x6480] =	vst v63  }
0x19b: {  	s30 =	sadd.s32 $0x80, s26;
	s31 =	simm.s32 $0x4A80  }
0x19c: {  	[hbm4b:s30+s2] =	stream.linear.scatter [tilespmem:s31], [sflag:$0x1], $0x80, $0x38;
	[tilespmem:$0x6480] =	vst v63  }
0x19d: {  	s6 =	sadd.s32 $0x100, s26;
	s7 =	simm.s32 $0x4E80  }
0x19e: {  	[hbm4b:s6+s2] =	stream.linear.scatter [tilespmem:s7], [sflag:$0x1], $0x80, $0x38;
	[tilespmem:$0x6480] =	vst v63  }
0x19f: {  	s28 =	sadd.s32 $0x180, s26;
	s29 =	simm.s32 $0x5280  }
0x1a0: {  	[hbm4b:s28+s2] =	stream.linear.scatter [tilespmem:s29], [sflag:$0x1], $0x80, $0x38;
	[tilespmem:$0x6480] =	vst v63  }
0x1a1: {  	s30 =	sadd.s32 $0x200, s26;
	s31 =	simm.s32 $0x5680  }
0x1a2: {  	[hbm4b:s30+s2] =	stream.linear.scatter [tilespmem:s31], [sflag:$0x1], $0x80, $0x38;
	[tilespmem:$0x6480] =	vst v63  }
0x1a3: {  	s5 =	sadd.s32 $0x280, s26;
	s6 =	simm.s32 $0x5A80  }
0x1a4: {  	[hbm4b:s5+s2] =	stream.linear.scatter [tilespmem:s6], [sflag:$0x1], $0x80, $0x38;
	[tilespmem:$0x6480] =	vst v63  }
0x1a5: {  	s7 =	sadd.s32 $0x300, s26;
	s28 =	simm.s32 $0x5E80  }
0x1a6: {  	[hbm4b:s7+s2] =	stream.linear.scatter [tilespmem:s28], [sflag:$0x1], $0x80, $0x38;
	[tilespmem:$0x6480] =	vst v63  }
0x1a7: {  	s29 =	sadd.s32 $0x380, s26;
	s30 =	simm.s32 $0x6280  }
0x1a8: {  	[hbm4b:s29+s2] =	stream.linear.scatter [tilespmem:s30], [sflag:$0x1], $0x80, $0x38;
	[tilespmem:$0x6480] =	vst v63  }
0x1a9: {  	_ =	swait.ge [sflag:s0], $0x400  }
0x1aa: {  	[sflag:s0] =	ssyncset.done $0x0  }
0x1ab: {  	[sflag:s0] =	ssyncadd.s32 $0xFFFFFC00  }
0x1ac: {  	_ =	swait.ge [sflag:s0], $0x400  }
0x1ad: {  	[sflag:s0] =	ssyncset.done $0x0  }
0x1ae: {  	[sflag:s0] =	ssyncadd.s32 $0xFFFFFC00  }
0x1af: {  	_ =	swait.ge [sflag:s0], $0x400  }
0x1b0: {  	[sflag:s0] =	ssyncset.done $0x0  }
0x1b1: {  	[sflag:s0] =	ssyncadd.s32 $0xFFFFFC00  }
0x1b2: {  	_ =	swait.ge [sflag:s0], $0x400  }
0x1b3: {  	[sflag:s0] =	ssyncset.done $0x0  }
0x1b4: {  	[sflag:s0] =	ssyncadd.s32 $0xFFFFFC00  }
0x1b5: {  	_ =	swait.ge [sflag:s0], $0x400  }
0x1b6: {  	[sflag:s0] =	ssyncset.done $0x0  }
0x1b7: {  	[sflag:s0] =	ssyncadd.s32 $0xFFFFFC00  }
0x1b8: {  	_ =	swait.ge [sflag:s0], $0x400  }
0x1b9: {  	[sflag:s0] =	ssyncset.done $0x0  }
0x1ba: {  	[sflag:s0] =	ssyncadd.s32 $0xFFFFFC00  }
0x1bb: {  	_ =	swait.ge [sflag:s0], $0x400  }
0x1bc: {  	[sflag:s0] =	ssyncset.done $0x0  }
0x1bd: {  	[sflag:s0] =	ssyncadd.s32 $0xFFFFFC00  }
0x1be: {  	_ =	swait.ge [sflag:s0], $0x400  }
0x1bf: {  	[sflag:s0] =	ssyncset.done $0x0  }
0x1c0: {  	[sflag:s0] =	ssyncadd.s32 $0xFFFFFC00  }
0x1c1: {  	_ =	swait.ge [sflag:s0], $0x400  }
0x1c2: {  	[sflag:s0] =	ssyncset.done $0x0  }
0x1c3: {  	[sflag:s0] =	ssyncadd.s32 $0xFFFFFC00  }
0x1c4: {  	_ =	swait.ge [sflag:s0], $0x400  }
0x1c5: {  	[sflag:s0] =	ssyncset.done $0x0  }
0x1c6: {  	[sflag:s0] =	ssyncadd.s32 $0xFFFFFC00  }
0x1c7: {  	_ =	swait.ge [sflag:s0], $0x400  }
0x1c8: {  	[sflag:s0] =	ssyncset.done $0x0  }
0x1c9: {  	[sflag:s0] =	ssyncadd.s32 $0xFFFFFC00  }
0x1ca: {  	_ =	swait.ge [sflag:s0], $0x400  }
0x1cb: {  	[sflag:s0] =	ssyncset.done $0x0  }
0x1cc: {  	[sflag:s0] =	ssyncadd.s32 $0xFFFFFC00  }
0x1cd: {  	_ =	swait.ge [sflag:s0], $0x400  }
0x1ce: {  	[sflag:s0] =	ssyncset.done $0x0  }
0x1cf: {  	[sflag:s0] =	ssyncadd.s32 $0xFFFFFC00  }
0x1d0: {  	_ =	swait.ge [sflag:s0], $0x400  }
0x1d1: {  	[sflag:s0] =	ssyncset.done $0x0  }
0x1d2: {  	[sflag:s0] =	ssyncadd.s32 $0xFFFFFC00  }
0x1d3: {  	_ =	swait.ge [sflag:s0], $0x400  }
0x1d4: {  	[sflag:s0] =	ssyncset.done $0x0  }
0x1d5: {  	[sflag:s0] =	ssyncadd.s32 $0xFFFFFC00  }
0x1d6: {  	_ =	swait.ge [sflag:s0], $0x400  }
0x1d7: {  	[sflag:s0] =	ssyncset.done $0x0  }
0x1d8: {  	[sflag:s0] =	ssyncadd.s32 $0xFFFFFC00  }
0x1d9: {  	_ =	swait.ge [sflag:s0], $0x400  }
0x1da: {  	[sflag:s0] =	ssyncset.done $0x0  }
0x1db: {  	[sflag:s0] =	ssyncadd.s32 $0xFFFFFC00  }
0x1dc: {  	_ =	swait.ge [sflag:s0], $0x400  }
0x1dd: {  	[sflag:s0] =	ssyncset.done $0x0  }
0x1de: {  	[sflag:s0] =	ssyncadd.s32 $0xFFFFFC00  }
0x1df: {  	_ =	swait.ge [sflag:s0], $0x400  }
0x1e0: {  	[sflag:s0] =	ssyncset.done $0x0  }
0x1e1: {  	[sflag:s0] =	ssyncadd.s32 $0xFFFFFC00  }
0x1e2: {  	_ =	swait.ge [sflag:s0], $0x400  }
0x1e3: {  	[sflag:s0] =	ssyncset.done $0x0  }
0x1e4: {  	[sflag:s0] =	ssyncadd.s32 $0xFFFFFC00  }
0x1e5: {  	_ =	swait.ge [sflag:s0], $0x400  }
0x1e6: {  	s1 =	sadd.s32 $0x1, s1;
	s31 =	rddreg [dreg:$0x8]  }
0x1e7: {  	p0 =	sne.s32 s1, s31  }
.Ltmp1:
0x1e8: {  	_ = 	snop;
	(pc) =	sbr.rel @p0 .LBB2_1-.Ltmp1, $3  }
0x1e9: {  	_ =	sdelay $0x1  }
0x1ea: {  	[sflag:s0] =	ssyncset.done $0x0  }
0x1eb: {  	[sflag:s0] =	ssyncadd.s32 $0xFFFFFC00  }
0x1ec: {  	_ =	sfence.sel $0x180000  }
0x1ed: {  	[bflag:$0x0] =	sbarrier.arrive $0xFFFF  }
0x1ee: {  	_ =	strace $0x90000047  }
0x1ef: {  	s0 =	stileid.u32;
	[bflag:$0x2] =	sbarrier.arrive $0xFFFF  }
0x1f0: {  	p0 =	sne.s32 s0, $0x0;
	s0 =	rddreg [dreg:$0x3]  }
0x1f1: {  	s0 =	sadd.s32 @!p0 $0x100000, s0  }
0x1f2: {  	[sflag:s0] =	ssyncadd.tile.s32 @!p0 $0x1;
	_ =	shalt  }
.Lfunc_end2:
_tile_overlayer_lowered:
.L_overlay_start_2:
0x1f3: {  	(tag) =	ssettag $0x2  }
0x1f4: {  	s0 =	rddreg [dreg:$0x0];
	s2 =	stileid.u32  }
0x1f5: {  	s1 =	rddreg [dreg:$0x1];
	p0 =	sne.s32 s2, $0x0  }
0x1f6: {  	s3 =	rddreg [dreg:$0x2];
	[bflag:$0x3] =	sbarrier.arrive $0xFFFF;
	s2 =	simm.s32 @!p0 $0x1C02  }
0x1f7: {  	[timem:s3], [sflag:s2] =	dma.local @!p0 [hbm:s0], s1  }
0x1f8: {  	s0 =	simm.s32 @!p0 $0x2  }
0x1f9: {  	_ =	swait.ge @!p0 [sflag:s0], s1  }
0x1fa: {  	s1 =	ssub.s32 @!p0 $0x0, s1;
	[sflag:s0] =	ssyncset.done @!p0 $0x0  }
0x1fb: {  	[sflag:s0] =	ssyncadd.s32 @!p0 s1  }
0x1fc: {  	[bflag:$0x3] =	sbarrier.arrive $0xFFFF  }
0x1fd: {  	_ =	shalt  }

</sc_bundles>
